<compile_context>
chip_gen: v7x
topology: tpu7x:2x2x1
jax: 0.10.2.dev20260603
libtpu: 0.0.44.dev20260713+nightly
codegen_flags: <defaults>
</compile_context>

<pallas_src>
import functools

import jax
import jax.numpy as jnp
from jax import lax
from jax.experimental import pallas as pl
from jax.experimental.pallas import tpu as pltpu
from jax.experimental.pallas import tpu_sc as plsc

_BATCH = 16384
_D = 64
_W = 2 * _D
_NW = 32
_CHUNK = 128
_ROWS_PER_W = _BATCH // _NW
_HALF = 256
_CPH = _HALF // _CHUNK
_US = 512000
_MS = 51200
_TB = 6400


def _transpose_body(a_ref, b_ref, out_ref):
    eye = (lax.broadcasted_iota(jnp.int32, (_D, _D), 0)
           == lax.broadcasted_iota(jnp.int32, (_D, _D), 1)).astype(jnp.float32)
    dn = (((0,), (0,)), ((), ()))
    at = lax.dot_general(a_ref[...], eye, dn,
                         preferred_element_type=jnp.float32)
    bt = lax.dot_general(b_ref[...], eye, dn,
                         preferred_element_type=jnp.float32)
    out_ref[...] = jnp.concatenate([at, bt], axis=1)


def _pack_rows(XT, s_rows):
    nb = s_rows // _TB
    last = (XT.shape[1] + _TB - 1) // _TB - 1
    return pl.pallas_call(
        _transpose_body,
        grid=(nb,),
        in_specs=[
            pl.BlockSpec((_D, _TB), lambda i: (0, i)),
            pl.BlockSpec((_D, _TB), lambda i: (0, jnp.minimum(i + nb, last))),
        ],
        out_specs=pl.BlockSpec((_TB, _W), lambda i: (i, 0)),
        out_shape=jax.ShapeDtypeStruct((s_rows, _W), jnp.float32),
    )(XT, XT)


def _sc_gather_body(T_hbm, idx_hbm, out_hbm, idx_v, rows_v, sem):
    wid = lax.axis_index("s") * 2 + lax.axis_index("c")
    for h in range(2):
        row0 = wid * 2 * _CPH + h * _CPH
        pltpu.sync_copy(idx_hbm.at[pl.ds(row0, _CPH)], idx_v)
        copies = []
        for j in range(_CPH):
            dst = rows_v.at[pl.ds(j * _CHUNK, _CHUNK)]
            copies.append(pltpu.async_copy(T_hbm.at[idx_v.at[j]], dst, sem))
        for c in copies:
            c.wait()
        base = wid * _ROWS_PER_W + h * _HALF
        pltpu.sync_copy(rows_v, out_hbm.at[pl.ds(base, _HALF)])


def _sc_gather(T2, idx2d):
    mesh = plsc.VectorSubcoreMesh(core_axis_name="c", subcore_axis_name="s")
    k = functools.partial(
        pl.kernel,
        mesh=mesh,
        out_type=jax.ShapeDtypeStruct((_BATCH, _W), jnp.float32),
        scratch_types=[
            pltpu.VMEM((_CPH, _CHUNK), jnp.int32),
            pltpu.VMEM((_HALF, _W), jnp.float32),
            pltpu.SemaphoreType.DMA,
        ],
    )(_sc_gather_body)
    return k(T2, idx2d)


def _mlp_body(ue_ref, me_ref, g_ref, up_ref, mp_ref, w1_ref, b1_ref,
              w2_ref, b2_ref, wf_ref, bf_ref, out_ref):
    ue = jnp.where(up_ref[...] > 0, ue_ref[:, _D:], ue_ref[:, :_D])
    me = jnp.where(mp_ref[...] > 0, me_ref[:, _D:], me_ref[:, :_D])
    w1 = w1_ref[...]
    h = ue @ w1[0:_D, :]
    h += me @ w1[_D:2 * _D, :]
    h += g_ref[...] @ w1[2 * _D:, :]
    h = jnp.maximum(h + b1_ref[...], 0.0)
    h = jnp.maximum(h @ w2_ref[...] + b2_ref[...], 0.0)
    o = jnp.sum(h * wf_ref[...], axis=1, keepdims=True) + bf_ref[...]
    out_ref[...] = 1.0 / (1.0 + jnp.exp(-o))


def _mlp(ue, me, genres, uparity, mparity, W1, b1, W2, b2, Wf, bf):
    bb = 2048
    grid = (_BATCH // bb,)
    n_in = 2 * _D + genres.shape[1]
    h1, h2 = W1.shape[1], W2.shape[1]
    return pl.pallas_call(
        _mlp_body,
        grid=grid,
        in_specs=[
            pl.BlockSpec((bb, _W), lambda i: (i, 0)),
            pl.BlockSpec((bb, _W), lambda i: (i, 0)),
            pl.BlockSpec((bb, genres.shape[1]), lambda i: (i, 0)),
            pl.BlockSpec((bb, 1), lambda i: (i, 0)),
            pl.BlockSpec((bb, 1), lambda i: (i, 0)),
            pl.BlockSpec((n_in, h1), lambda i: (0, 0)),
            pl.BlockSpec((1, h1), lambda i: (0, 0)),
            pl.BlockSpec((h1, h2), lambda i: (0, 0)),
            pl.BlockSpec((1, h2), lambda i: (0, 0)),
            pl.BlockSpec((1, h2), lambda i: (0, 0)),
            pl.BlockSpec((1, 1), lambda i: (0, 0)),
        ],
        out_specs=pl.BlockSpec((bb, 1), lambda i: (i, 0)),
        out_shape=jax.ShapeDtypeStruct((_BATCH, 1), jnp.float32),
    )(ue, me, genres, uparity, mparity, W1, b1, W2, b2, Wf, bf)


def kernel(users, movies, genres, U, M, W1, b1, W2, b2, Wf, bf):
    users = users.astype(jnp.int32)
    movies = movies.astype(jnp.int32)
    U2 = _pack_rows(U.T, _US)
    M2 = _pack_rows(M.T, _MS)
    users2d = (users % _US).reshape(_BATCH // _CHUNK, _CHUNK)
    movies2d = (movies % _MS).reshape(_BATCH // _CHUNK, _CHUNK)
    uparity = (users // _US).reshape(_BATCH, 1)
    mparity = (movies // _MS).reshape(_BATCH, 1)
    ue = _sc_gather(U2, users2d)
    me = _sc_gather(M2, movies2d)
    return _mlp(ue, me, genres, uparity, mparity,
                W1, b1.reshape(1, -1), W2, b2.reshape(1, -1),
                Wf.reshape(1, -1), bf.reshape(1, 1))

# --- scband reference (transcript-rebuilt; emitter-appended) ---
"""Pipeline reference for scband-embedding-net-28810640622325 (READ-ONLY COPY).

The authoritative reference and input builder live on the scoring server;
editing this copy changes nothing except your own understanding.
"""

import jax, jax.numpy as jnp
import numpy as np

N_USERS = 1000000
N_MOVIES = 100000
N_GENRES = 32
N_FACTORS = 64
HIDDEN = [256, 128]
BATCH = 16384


def setup_inputs(seed: int = 0) -> dict:
    key = jax.random.key(seed)
    ks = [jax.random.fold_in(key, i) for i in range(12)]
    users = jax.random.randint(ks[0], (BATCH,), 0, N_USERS, dtype=jnp.int64 if jax.config.jax_enable_x64 else jnp.int32)
    movies = jax.random.randint(ks[1], (BATCH,), 0, N_MOVIES, dtype=jnp.int64 if jax.config.jax_enable_x64 else jnp.int32)
    genres = jax.random.normal(ks[2], (BATCH, N_GENRES), dtype=jnp.float32)
    # learned params (eval mode: dropout is identity)
    U = jax.random.uniform(ks[3], (N_USERS, N_FACTORS), minval=-0.05, maxval=0.05, dtype=jnp.float32)
    M = jax.random.uniform(ks[4], (N_MOVIES, N_FACTORS), minval=-0.05, maxval=0.05, dtype=jnp.float32)
    n_in = N_FACTORS * 2 + N_GENRES
    def xavier(k, fan_in, fan_out):
        a = float(np.sqrt(6.0 / (fan_in + fan_out)))
        return jax.random.uniform(k, (fan_in, fan_out), minval=-a, maxval=a, dtype=jnp.float32)
    W1 = xavier(ks[5], n_in, HIDDEN[0])
    b1 = jnp.full((HIDDEN[0],), 0.01, dtype=jnp.float32)
    W2 = xavier(ks[6], HIDDEN[0], HIDDEN[1])
    b2 = jnp.full((HIDDEN[1],), 0.01, dtype=jnp.float32)
    Wf = xavier(ks[7], HIDDEN[1], 1)
    bf = jnp.full((1,), 0.01, dtype=jnp.float32)
    return {"users": users, "movies": movies, "genres": genres,
            "U": U, "M": M, "W1": W1, "b1": b1, "W2": W2, "b2": b2, "Wf": Wf, "bf": bf}


def reference(users, movies, genres, U, M, W1, b1, W2, b2, Wf, bf):
    user_embedding = jnp.take(U, users, axis=0)
    movie_embedding = jnp.take(M, movies, axis=0)
    features = jnp.concatenate([user_embedding, movie_embedding, genres], axis=1)
    x = features  # embedding dropout: identity in eval mode
    x = jax.nn.relu(x @ W1 + b1)  # dropout identity in eval
    x = jax.nn.relu(x @ W2 + b2)
    out = jax.nn.sigmoid(x @ Wf + bf)
    return out

if __name__ == "__main__":
    import jax
    _d = setup_inputs()
    print(jax.jit(kernel)(*tuple(_d.values())))

</pallas_src>

<mosaic_0001>
#map = affine_map<(d0, d1) -> (0, 0)>
module attributes {stable_mosaic.version = 14 : i64} {
  func.func @_sc_gather_body(%arg0: i32, %arg1: i32, %arg2: memref<512000x128xf32, #tpu.memory_space<hbm>>, %arg3: memref<128x128xi32, #tpu.memory_space<hbm>>, %arg4: memref<16384x128xf32, #tpu.memory_space<hbm>>, %arg5: memref<2x128xi32, #tpu.memory_space<vmem>>, %arg6: memref<256x128xf32, #tpu.memory_space<vmem>>, %arg7: memref<!tpu.dma_semaphore, #tpu.memory_space<semaphore_mem>>) attributes {dimension_semantics = [#tpu.dimension_semantics<core_parallel>, #tpu.dimension_semantics<subcore_parallel>], iteration_bounds = array<i64: 2, 16>, scalar_prefetch = 0 : i64, scratch_operands = 3 : i64, tpu.core_type = #tpu.core_type<sc_vector_subcore>, window_params = [{transform_indices = #map}, {transform_indices = #map}, {transform_indices = #map}]} {
    %mul3A = arith.constant 2 : i32
    %mul3A_0 = arith.muli %arg1, %mul3A : i32
    %add3A = arith.addi %mul3A_0, %arg0 : i32
    %mul3A_1 = arith.constant 2 : i32
    %mul3A_2 = arith.muli %add3A, %mul3A_1 : i32
    %mul3A_3 = arith.constant 2 : i32
    %mul3A_4 = arith.muli %mul3A_2, %mul3A_3 : i32
    %add3A_5 = arith.constant 0 : i32
    %add3A_6 = arith.addi %mul3A_4, %add3A_5 : i32
    "tpu.region"() ({
      %run_scoped3A = tpu.sem_alloc : memref<!tpu.dma_semaphore, #tpu.memory_space<semaphore_mem>>
      %dma_start3A_99 = arith.constant 0 : i32
      %dma_start3A_100 = tpu.memref_slice %arg3[%add3A_6, %dma_start3A_99] : memref<128x128xi32, #tpu.memory_space<hbm>> -> memref<2x128xi32, #tpu.memory_space<hbm>>
      %dma_start3A_101 = arith.constant 0 : i32
      %dma_start3A_102 = tpu.memref_slice %arg3[%add3A_6, %dma_start3A_101] : memref<128x128xi32, #tpu.memory_space<hbm>> -> memref<2x128xi32, #tpu.memory_space<hbm>>
      tpu.enqueue_dma source(%dma_start3A_102 : memref<2x128xi32, #tpu.memory_space<hbm>>) target(%arg5 : memref<2x128xi32, #tpu.memory_space<vmem>>) target_semaphore(%run_scoped3A : memref<!tpu.dma_semaphore, #tpu.memory_space<semaphore_mem>>)
      %dma_wait3A_103 = arith.constant 0 : i32
      %dma_wait3A_104 = tpu.memref_slice %arg3[%add3A_6, %dma_wait3A_103] : memref<128x128xi32, #tpu.memory_space<hbm>> -> memref<2x128xi32, #tpu.memory_space<hbm>>
      %dma_wait3A_105 = arith.constant 0 : i32
      %dma_wait3A_106 = tpu.memref_slice %arg3[%add3A_6, %dma_wait3A_105] : memref<128x128xi32, #tpu.memory_space<hbm>> -> memref<2x128xi32, #tpu.memory_space<hbm>>
      tpu.wait_dma2 semaphore(%run_scoped3A : memref<!tpu.dma_semaphore, #tpu.memory_space<semaphore_mem>>) src(%dma_wait3A_106 : memref<2x128xi32, #tpu.memory_space<hbm>>) dst(%arg5 : memref<2x128xi32, #tpu.memory_space<vmem>>)
      tpu.yield
    }) : () -> ()
    %dma_start3A = arith.constant 0 : i32
    %dma_start3A_7 = arith.constant 0 : i32
    %dma_start3A_8 = arith.constant 0 : i32
    %dma_start3A_9 = tpu.memref_slice %arg6[%dma_start3A_7, %dma_start3A_8] : memref<256x128xf32, #tpu.memory_space<vmem>> -> memref<128x128xf32, #tpu.memory_space<vmem>>
    %dma_start3A_10 = arith.constant 0 : i32
    %dma_start3A_11 = tpu.memref_slice %arg5[%dma_start3A, %dma_start3A_10] : memref<2x128xi32, #tpu.memory_space<vmem>> -> memref<1x128xi32, #tpu.memory_space<vmem>>
    %dma_start3A_12 = tpu.memref_squeeze %dma_start3A_11 : memref<1x128xi32, #tpu.memory_space<vmem>> -> memref<128xi32, #tpu.memory_space<vmem>>
    %dma_start3A_13 = arith.constant 0 : i32
    %dma_start3A_14 = arith.constant 0 : i32
    %dma_start3A_15 = tpu.memref_slice %arg2[%dma_start3A_13, %dma_start3A_14] : memref<512000x128xf32, #tpu.memory_space<hbm>> -> memref<512000x128xf32, #tpu.memory_space<hbm>>
    tpu.enqueue_indirect_dma source(%dma_start3A_15 : memref<512000x128xf32, #tpu.memory_space<hbm>>) target(%dma_start3A_9 : memref<128x128xf32, #tpu.memory_space<vmem>>) offsets(%dma_start3A_12 : memref<128xi32, #tpu.memory_space<vmem>>) semaphore(%arg7 : memref<!tpu.dma_semaphore, #tpu.memory_space<semaphore_mem>>)
    %dma_start3A_16 = arith.constant 1 : i32
    %dma_start3A_17 = arith.constant 128 : i32
    %dma_start3A_18 = arith.constant 0 : i32
    %dma_start3A_19 = tpu.memref_slice %arg6[%dma_start3A_17, %dma_start3A_18] : memref<256x128xf32, #tpu.memory_space<vmem>> -> memref<128x128xf32, #tpu.memory_space<vmem>>
    %dma_start3A_20 = arith.constant 0 : i32
    %dma_start3A_21 = tpu.memref_slice %arg5[%dma_start3A_16, %dma_start3A_20] : memref<2x128xi32, #tpu.memory_space<vmem>> -> memref<1x128xi32, #tpu.memory_space<vmem>>
    %dma_start3A_22 = tpu.memref_squeeze %dma_start3A_21 : memref<1x128xi32, #tpu.memory_space<vmem>> -> memref<128xi32, #tpu.memory_space<vmem>>
    %dma_start3A_23 = arith.constant 0 : i32
    %dma_start3A_24 = arith.constant 0 : i32
    %dma_start3A_25 = tpu.memref_slice %arg2[%dma_start3A_23, %dma_start3A_24] : memref<512000x128xf32, #tpu.memory_space<hbm>> -> memref<512000x128xf32, #tpu.memory_space<hbm>>
    tpu.enqueue_indirect_dma source(%dma_start3A_25 : memref<512000x128xf32, #tpu.memory_space<hbm>>) target(%dma_start3A_19 : memref<128x128xf32, #tpu.memory_space<vmem>>) offsets(%dma_start3A_22 : memref<128xi32, #tpu.memory_space<vmem>>) semaphore(%arg7 : memref<!tpu.dma_semaphore, #tpu.memory_space<semaphore_mem>>)
    %dma_wait3A = arith.constant 0 : i32
    %dma_wait3A_26 = arith.constant 0 : i32
    %dma_wait3A_27 = arith.constant 0 : i32
    %dma_wait3A_28 = tpu.memref_slice %arg6[%dma_wait3A_26, %dma_wait3A_27] : memref<256x128xf32, #tpu.memory_space<vmem>> -> memref<128x128xf32, #tpu.memory_space<vmem>>
    %dma_wait3A_29 = arith.constant 0 : i32
    %dma_wait3A_30 = tpu.memref_slice %arg5[%dma_wait3A, %dma_wait3A_29] : memref<2x128xi32, #tpu.memory_space<vmem>> -> memref<1x128xi32, #tpu.memory_space<vmem>>
    %dma_wait3A_31 = tpu.memref_squeeze %dma_wait3A_30 : memref<1x128xi32, #tpu.memory_space<vmem>> -> memref<128xi32, #tpu.memory_space<vmem>>
    %dma_wait3A_32 = arith.constant 0 : i32
    %dma_wait3A_33 = arith.constant 0 : i32
    %dma_wait3A_34 = tpu.memref_slice %arg2[%dma_wait3A_32, %dma_wait3A_33] : memref<512000x128xf32, #tpu.memory_space<hbm>> -> memref<512000x128xf32, #tpu.memory_space<hbm>>
    tpu.wait_indirect_dma semaphore(%arg7 : memref<!tpu.dma_semaphore, #tpu.memory_space<semaphore_mem>>) src(%dma_wait3A_34 : memref<512000x128xf32, #tpu.memory_space<hbm>>) dst(%dma_wait3A_28 : memref<128x128xf32, #tpu.memory_space<vmem>>)
    %dma_wait3A_35 = arith.constant 1 : i32
    %dma_wait3A_36 = arith.constant 128 : i32
    %dma_wait3A_37 = arith.constant 0 : i32
    %dma_wait3A_38 = tpu.memref_slice %arg6[%dma_wait3A_36, %dma_wait3A_37] : memref<256x128xf32, #tpu.memory_space<vmem>> -> memref<128x128xf32, #tpu.memory_space<vmem>>
    %dma_wait3A_39 = arith.constant 0 : i32
    %dma_wait3A_40 = tpu.memref_slice %arg5[%dma_wait3A_35, %dma_wait3A_39] : memref<2x128xi32, #tpu.memory_space<vmem>> -> memref<1x128xi32, #tpu.memory_space<vmem>>
    %dma_wait3A_41 = tpu.memref_squeeze %dma_wait3A_40 : memref<1x128xi32, #tpu.memory_space<vmem>> -> memref<128xi32, #tpu.memory_space<vmem>>
    %dma_wait3A_42 = arith.constant 0 : i32
    %dma_wait3A_43 = arith.constant 0 : i32
    %dma_wait3A_44 = tpu.memref_slice %arg2[%dma_wait3A_42, %dma_wait3A_43] : memref<512000x128xf32, #tpu.memory_space<hbm>> -> memref<512000x128xf32, #tpu.memory_space<hbm>>
    tpu.wait_indirect_dma semaphore(%arg7 : memref<!tpu.dma_semaphore, #tpu.memory_space<semaphore_mem>>) src(%dma_wait3A_44 : memref<512000x128xf32, #tpu.memory_space<hbm>>) dst(%dma_wait3A_38 : memref<128x128xf32, #tpu.memory_space<vmem>>)
    %mul3A_45 = arith.constant 512 : i32
    %mul3A_46 = arith.muli %add3A, %mul3A_45 : i32
    %add3A_47 = arith.constant 0 : i32
    %add3A_48 = arith.addi %mul3A_46, %add3A_47 : i32
    "tpu.region"() ({
      %run_scoped3A = tpu.sem_alloc : memref<!tpu.dma_semaphore, #tpu.memory_space<semaphore_mem>>
      %dma_start3A_99 = arith.constant 0 : i32
      %dma_start3A_100 = tpu.memref_slice %arg4[%add3A_48, %dma_start3A_99] : memref<16384x128xf32, #tpu.memory_space<hbm>> -> memref<256x128xf32, #tpu.memory_space<hbm>>
      %dma_start3A_101 = arith.constant 0 : i32
      %dma_start3A_102 = tpu.memref_slice %arg4[%add3A_48, %dma_start3A_101] : memref<16384x128xf32, #tpu.memory_space<hbm>> -> memref<256x128xf32, #tpu.memory_space<hbm>>
      tpu.enqueue_dma source(%arg6 : memref<256x128xf32, #tpu.memory_space<vmem>>) target(%dma_start3A_102 : memref<256x128xf32, #tpu.memory_space<hbm>>) target_semaphore(%run_scoped3A : memref<!tpu.dma_semaphore, #tpu.memory_space<semaphore_mem>>)
      %dma_wait3A_103 = arith.constant 0 : i32
      %dma_wait3A_104 = tpu.memref_slice %arg4[%add3A_48, %dma_wait3A_103] : memref<16384x128xf32, #tpu.memory_space<hbm>> -> memref<256x128xf32, #tpu.memory_space<hbm>>
      %dma_wait3A_105 = arith.constant 0 : i32
      %dma_wait3A_106 = tpu.memref_slice %arg4[%add3A_48, %dma_wait3A_105] : memref<16384x128xf32, #tpu.memory_space<hbm>> -> memref<256x128xf32, #tpu.memory_space<hbm>>
      tpu.wait_dma2 semaphore(%run_scoped3A : memref<!tpu.dma_semaphore, #tpu.memory_space<semaphore_mem>>) src(%arg6 : memref<256x128xf32, #tpu.memory_space<vmem>>) dst(%dma_wait3A_106 : memref<256x128xf32, #tpu.memory_space<hbm>>)
      tpu.yield
    }) : () -> ()
    %mul3A_49 = arith.constant 2 : i32
    %mul3A_50 = arith.muli %add3A, %mul3A_49 : i32
    %mul3A_51 = arith.constant 2 : i32
    %mul3A_52 = arith.muli %mul3A_50, %mul3A_51 : i32
    %add3A_53 = arith.constant 2 : i32
    %add3A_54 = arith.addi %mul3A_52, %add3A_53 : i32
    "tpu.region"() ({
      %run_scoped3A = tpu.sem_alloc : memref<!tpu.dma_semaphore, #tpu.memory_space<semaphore_mem>>
      %dma_start3A_99 = arith.constant 0 : i32
      %dma_start3A_100 = tpu.memref_slice %arg3[%add3A_54, %dma_start3A_99] : memref<128x128xi32, #tpu.memory_space<hbm>> -> memref<2x128xi32, #tpu.memory_space<hbm>>
      %dma_start3A_101 = arith.constant 0 : i32
      %dma_start3A_102 = tpu.memref_slice %arg3[%add3A_54, %dma_start3A_101] : memref<128x128xi32, #tpu.memory_space<hbm>> -> memref<2x128xi32, #tpu.memory_space<hbm>>
      tpu.enqueue_dma source(%dma_start3A_102 : memref<2x128xi32, #tpu.memory_space<hbm>>) target(%arg5 : memref<2x128xi32, #tpu.memory_space<vmem>>) target_semaphore(%run_scoped3A : memref<!tpu.dma_semaphore, #tpu.memory_space<semaphore_mem>>)
      %dma_wait3A_103 = arith.constant 0 : i32
      %dma_wait3A_104 = tpu.memref_slice %arg3[%add3A_54, %dma_wait3A_103] : memref<128x128xi32, #tpu.memory_space<hbm>> -> memref<2x128xi32, #tpu.memory_space<hbm>>
      %dma_wait3A_105 = arith.constant 0 : i32
      %dma_wait3A_106 = tpu.memref_slice %arg3[%add3A_54, %dma_wait3A_105] : memref<128x128xi32, #tpu.memory_space<hbm>> -> memref<2x128xi32, #tpu.memory_space<hbm>>
      tpu.wait_dma2 semaphore(%run_scoped3A : memref<!tpu.dma_semaphore, #tpu.memory_space<semaphore_mem>>) src(%dma_wait3A_106 : memref<2x128xi32, #tpu.memory_space<hbm>>) dst(%arg5 : memref<2x128xi32, #tpu.memory_space<vmem>>)
      tpu.yield
    }) : () -> ()
    %dma_start3A_55 = arith.constant 0 : i32
    %dma_start3A_56 = arith.constant 0 : i32
    %dma_start3A_57 = arith.constant 0 : i32
    %dma_start3A_58 = tpu.memref_slice %arg6[%dma_start3A_56, %dma_start3A_57] : memref<256x128xf32, #tpu.memory_space<vmem>> -> memref<128x128xf32, #tpu.memory_space<vmem>>
    %dma_start3A_59 = arith.constant 0 : i32
    %dma_start3A_60 = tpu.memref_slice %arg5[%dma_start3A_55, %dma_start3A_59] : memref<2x128xi32, #tpu.memory_space<vmem>> -> memref<1x128xi32, #tpu.memory_space<vmem>>
    %dma_start3A_61 = tpu.memref_squeeze %dma_start3A_60 : memref<1x128xi32, #tpu.memory_space<vmem>> -> memref<128xi32, #tpu.memory_space<vmem>>
    %dma_start3A_62 = arith.constant 0 : i32
    %dma_start3A_63 = arith.constant 0 : i32
    %dma_start3A_64 = tpu.memref_slice %arg2[%dma_start3A_62, %dma_start3A_63] : memref<512000x128xf32, #tpu.memory_space<hbm>> -> memref<512000x128xf32, #tpu.memory_space<hbm>>
    tpu.enqueue_indirect_dma source(%dma_start3A_64 : memref<512000x128xf32, #tpu.memory_space<hbm>>) target(%dma_start3A_58 : memref<128x128xf32, #tpu.memory_space<vmem>>) offsets(%dma_start3A_61 : memref<128xi32, #tpu.memory_space<vmem>>) semaphore(%arg7 : memref<!tpu.dma_semaphore, #tpu.memory_space<semaphore_mem>>)
    %dma_start3A_65 = arith.constant 1 : i32
    %dma_start3A_66 = arith.constant 128 : i32
    %dma_start3A_67 = arith.constant 0 : i32
    %dma_start3A_68 = tpu.memref_slice %arg6[%dma_start3A_66, %dma_start3A_67] : memref<256x128xf32, #tpu.memory_space<vmem>> -> memref<128x128xf32, #tpu.memory_space<vmem>>
    %dma_start3A_69 = arith.constant 0 : i32
    %dma_start3A_70 = tpu.memref_slice %arg5[%dma_start3A_65, %dma_start3A_69] : memref<2x128xi32, #tpu.memory_space<vmem>> -> memref<1x128xi32, #tpu.memory_space<vmem>>
    %dma_start3A_71 = tpu.memref_squeeze %dma_start3A_70 : memref<1x128xi32, #tpu.memory_space<vmem>> -> memref<128xi32, #tpu.memory_space<vmem>>
    %dma_start3A_72 = arith.constant 0 : i32
    %dma_start3A_73 = arith.constant 0 : i32
    %dma_start3A_74 = tpu.memref_slice %arg2[%dma_start3A_72, %dma_start3A_73] : memref<512000x128xf32, #tpu.memory_space<hbm>> -> memref<512000x128xf32, #tpu.memory_space<hbm>>
    tpu.enqueue_indirect_dma source(%dma_start3A_74 : memref<512000x128xf32, #tpu.memory_space<hbm>>) target(%dma_start3A_68 : memref<128x128xf32, #tpu.memory_space<vmem>>) offsets(%dma_start3A_71 : memref<128xi32, #tpu.memory_space<vmem>>) semaphore(%arg7 : memref<!tpu.dma_semaphore, #tpu.memory_space<semaphore_mem>>)
    %dma_wait3A_75 = arith.constant 0 : i32
    %dma_wait3A_76 = arith.constant 0 : i32
    %dma_wait3A_77 = arith.constant 0 : i32
    %dma_wait3A_78 = tpu.memref_slice %arg6[%dma_wait3A_76, %dma_wait3A_77] : memref<256x128xf32, #tpu.memory_space<vmem>> -> memref<128x128xf32, #tpu.memory_space<vmem>>
    %dma_wait3A_79 = arith.constant 0 : i32
    %dma_wait3A_80 = tpu.memref_slice %arg5[%dma_wait3A_75, %dma_wait3A_79] : memref<2x128xi32, #tpu.memory_space<vmem>> -> memref<1x128xi32, #tpu.memory_space<vmem>>
    %dma_wait3A_81 = tpu.memref_squeeze %dma_wait3A_80 : memref<1x128xi32, #tpu.memory_space<vmem>> -> memref<128xi32, #tpu.memory_space<vmem>>
    %dma_wait3A_82 = arith.constant 0 : i32
    %dma_wait3A_83 = arith.constant 0 : i32
    %dma_wait3A_84 = tpu.memref_slice %arg2[%dma_wait3A_82, %dma_wait3A_83] : memref<512000x128xf32, #tpu.memory_space<hbm>> -> memref<512000x128xf32, #tpu.memory_space<hbm>>
    tpu.wait_indirect_dma semaphore(%arg7 : memref<!tpu.dma_semaphore, #tpu.memory_space<semaphore_mem>>) src(%dma_wait3A_84 : memref<512000x128xf32, #tpu.memory_space<hbm>>) dst(%dma_wait3A_78 : memref<128x128xf32, #tpu.memory_space<vmem>>)
    %dma_wait3A_85 = arith.constant 1 : i32
    %dma_wait3A_86 = arith.constant 128 : i32
    %dma_wait3A_87 = arith.constant 0 : i32
    %dma_wait3A_88 = tpu.memref_slice %arg6[%dma_wait3A_86, %dma_wait3A_87] : memref<256x128xf32, #tpu.memory_space<vmem>> -> memref<128x128xf32, #tpu.memory_space<vmem>>
    %dma_wait3A_89 = arith.constant 0 : i32
    %dma_wait3A_90 = tpu.memref_slice %arg5[%dma_wait3A_85, %dma_wait3A_89] : memref<2x128xi32, #tpu.memory_space<vmem>> -> memref<1x128xi32, #tpu.memory_space<vmem>>
    %dma_wait3A_91 = tpu.memref_squeeze %dma_wait3A_90 : memref<1x128xi32, #tpu.memory_space<vmem>> -> memref<128xi32, #tpu.memory_space<vmem>>
    %dma_wait3A_92 = arith.constant 0 : i32
    %dma_wait3A_93 = arith.constant 0 : i32
    %dma_wait3A_94 = tpu.memref_slice %arg2[%dma_wait3A_92, %dma_wait3A_93] : memref<512000x128xf32, #tpu.memory_space<hbm>> -> memref<512000x128xf32, #tpu.memory_space<hbm>>
    tpu.wait_indirect_dma semaphore(%arg7 : memref<!tpu.dma_semaphore, #tpu.memory_space<semaphore_mem>>) src(%dma_wait3A_94 : memref<512000x128xf32, #tpu.memory_space<hbm>>) dst(%dma_wait3A_88 : memref<128x128xf32, #tpu.memory_space<vmem>>)
    %mul3A_95 = arith.constant 512 : i32
    %mul3A_96 = arith.muli %add3A, %mul3A_95 : i32
    %add3A_97 = arith.constant 256 : i32
    %add3A_98 = arith.addi %mul3A_96, %add3A_97 : i32
    "tpu.region"() ({
      %run_scoped3A = tpu.sem_alloc : memref<!tpu.dma_semaphore, #tpu.memory_space<semaphore_mem>>
      %dma_start3A_99 = arith.constant 0 : i32
      %dma_start3A_100 = tpu.memref_slice %arg4[%add3A_98, %dma_start3A_99] : memref<16384x128xf32, #tpu.memory_space<hbm>> -> memref<256x128xf32, #tpu.memory_space<hbm>>
      %dma_start3A_101 = arith.constant 0 : i32
      %dma_start3A_102 = tpu.memref_slice %arg4[%add3A_98, %dma_start3A_101] : memref<16384x128xf32, #tpu.memory_space<hbm>> -> memref<256x128xf32, #tpu.memory_space<hbm>>
      tpu.enqueue_dma source(%arg6 : memref<256x128xf32, #tpu.memory_space<vmem>>) target(%dma_start3A_102 : memref<256x128xf32, #tpu.memory_space<hbm>>) target_semaphore(%run_scoped3A : memref<!tpu.dma_semaphore, #tpu.memory_space<semaphore_mem>>)
      %dma_wait3A_103 = arith.constant 0 : i32
      %dma_wait3A_104 = tpu.memref_slice %arg4[%add3A_98, %dma_wait3A_103] : memref<16384x128xf32, #tpu.memory_space<hbm>> -> memref<256x128xf32, #tpu.memory_space<hbm>>
      %dma_wait3A_105 = arith.constant 0 : i32
      %dma_wait3A_106 = tpu.memref_slice %arg4[%add3A_98, %dma_wait3A_105] : memref<16384x128xf32, #tpu.memory_space<hbm>> -> memref<256x128xf32, #tpu.memory_space<hbm>>
      tpu.wait_dma2 semaphore(%run_scoped3A : memref<!tpu.dma_semaphore, #tpu.memory_space<semaphore_mem>>) src(%arg6 : memref<256x128xf32, #tpu.memory_space<vmem>>) dst(%dma_wait3A_106 : memref<256x128xf32, #tpu.memory_space<hbm>>)
      tpu.yield
    }) : () -> ()
    return
  }
}

#map = affine_map<(d0, d1) -> (0, 0)>
module attributes {stable_mosaic.version = 14 : i64} {
  func.func @_sc_gather_body(%arg0: i32, %arg1: i32, %arg2: memref<51200x128xf32, #tpu.memory_space<hbm>>, %arg3: memref<128x128xi32, #tpu.memory_space<hbm>>, %arg4: memref<16384x128xf32, #tpu.memory_space<hbm>>, %arg5: memref<2x128xi32, #tpu.memory_space<vmem>>, %arg6: memref<256x128xf32, #tpu.memory_space<vmem>>, %arg7: memref<!tpu.dma_semaphore, #tpu.memory_space<semaphore_mem>>) attributes {dimension_semantics = [#tpu.dimension_semantics<core_parallel>, #tpu.dimension_semantics<subcore_parallel>], iteration_bounds = array<i64: 2, 16>, scalar_prefetch = 0 : i64, scratch_operands = 3 : i64, tpu.core_type = #tpu.core_type<sc_vector_subcore>, window_params = [{transform_indices = #map}, {transform_indices = #map}, {transform_indices = #map}]} {
    %mul3A = arith.constant 2 : i32
    %mul3A_0 = arith.muli %arg1, %mul3A : i32
    %add3A = arith.addi %mul3A_0, %arg0 : i32
    %mul3A_1 = arith.constant 2 : i32
    %mul3A_2 = arith.muli %add3A, %mul3A_1 : i32
    %mul3A_3 = arith.constant 2 : i32
    %mul3A_4 = arith.muli %mul3A_2, %mul3A_3 : i32
    %add3A_5 = arith.constant 0 : i32
    %add3A_6 = arith.addi %mul3A_4, %add3A_5 : i32
    "tpu.region"() ({
      %run_scoped3A = tpu.sem_alloc : memref<!tpu.dma_semaphore, #tpu.memory_space<semaphore_mem>>
      %dma_start3A_99 = arith.constant 0 : i32
      %dma_start3A_100 = tpu.memref_slice %arg3[%add3A_6, %dma_start3A_99] : memref<128x128xi32, #tpu.memory_space<hbm>> -> memref<2x128xi32, #tpu.memory_space<hbm>>
      %dma_start3A_101 = arith.constant 0 : i32
      %dma_start3A_102 = tpu.memref_slice %arg3[%add3A_6, %dma_start3A_101] : memref<128x128xi32, #tpu.memory_space<hbm>> -> memref<2x128xi32, #tpu.memory_space<hbm>>
      tpu.enqueue_dma source(%dma_start3A_102 : memref<2x128xi32, #tpu.memory_space<hbm>>) target(%arg5 : memref<2x128xi32, #tpu.memory_space<vmem>>) target_semaphore(%run_scoped3A : memref<!tpu.dma_semaphore, #tpu.memory_space<semaphore_mem>>)
      %dma_wait3A_103 = arith.constant 0 : i32
      %dma_wait3A_104 = tpu.memref_slice %arg3[%add3A_6, %dma_wait3A_103] : memref<128x128xi32, #tpu.memory_space<hbm>> -> memref<2x128xi32, #tpu.memory_space<hbm>>
      %dma_wait3A_105 = arith.constant 0 : i32
      %dma_wait3A_106 = tpu.memref_slice %arg3[%add3A_6, %dma_wait3A_105] : memref<128x128xi32, #tpu.memory_space<hbm>> -> memref<2x128xi32, #tpu.memory_space<hbm>>
      tpu.wait_dma2 semaphore(%run_scoped3A : memref<!tpu.dma_semaphore, #tpu.memory_space<semaphore_mem>>) src(%dma_wait3A_106 : memref<2x128xi32, #tpu.memory_space<hbm>>) dst(%arg5 : memref<2x128xi32, #tpu.memory_space<vmem>>)
      tpu.yield
    }) : () -> ()
    %dma_start3A = arith.constant 0 : i32
    %dma_start3A_7 = arith.constant 0 : i32
    %dma_start3A_8 = arith.constant 0 : i32
    %dma_start3A_9 = tpu.memref_slice %arg6[%dma_start3A_7, %dma_start3A_8] : memref<256x128xf32, #tpu.memory_space<vmem>> -> memref<128x128xf32, #tpu.memory_space<vmem>>
    %dma_start3A_10 = arith.constant 0 : i32
    %dma_start3A_11 = tpu.memref_slice %arg5[%dma_start3A, %dma_start3A_10] : memref<2x128xi32, #tpu.memory_space<vmem>> -> memref<1x128xi32, #tpu.memory_space<vmem>>
    %dma_start3A_12 = tpu.memref_squeeze %dma_start3A_11 : memref<1x128xi32, #tpu.memory_space<vmem>> -> memref<128xi32, #tpu.memory_space<vmem>>
    %dma_start3A_13 = arith.constant 0 : i32
    %dma_start3A_14 = arith.constant 0 : i32
    %dma_start3A_15 = tpu.memref_slice %arg2[%dma_start3A_13, %dma_start3A_14] : memref<51200x128xf32, #tpu.memory_space<hbm>> -> memref<51200x128xf32, #tpu.memory_space<hbm>>
    tpu.enqueue_indirect_dma source(%dma_start3A_15 : memref<51200x128xf32, #tpu.memory_space<hbm>>) target(%dma_start3A_9 : memref<128x128xf32, #tpu.memory_space<vmem>>) offsets(%dma_start3A_12 : memref<128xi32, #tpu.memory_space<vmem>>) semaphore(%arg7 : memref<!tpu.dma_semaphore, #tpu.memory_space<semaphore_mem>>)
    %dma_start3A_16 = arith.constant 1 : i32
    %dma_start3A_17 = arith.constant 128 : i32
    %dma_start3A_18 = arith.constant 0 : i32
    %dma_start3A_19 = tpu.memref_slice %arg6[%dma_start3A_17, %dma_start3A_18] : memref<256x128xf32, #tpu.memory_space<vmem>> -> memref<128x128xf32, #tpu.memory_space<vmem>>
    %dma_start3A_20 = arith.constant 0 : i32
    %dma_start3A_21 = tpu.memref_slice %arg5[%dma_start3A_16, %dma_start3A_20] : memref<2x128xi32, #tpu.memory_space<vmem>> -> memref<1x128xi32, #tpu.memory_space<vmem>>
    %dma_start3A_22 = tpu.memref_squeeze %dma_start3A_21 : memref<1x128xi32, #tpu.memory_space<vmem>> -> memref<128xi32, #tpu.memory_space<vmem>>
    %dma_start3A_23 = arith.constant 0 : i32
    %dma_start3A_24 = arith.constant 0 : i32
    %dma_start3A_25 = tpu.memref_slice %arg2[%dma_start3A_23, %dma_start3A_24] : memref<51200x128xf32, #tpu.memory_space<hbm>> -> memref<51200x128xf32, #tpu.memory_space<hbm>>
    tpu.enqueue_indirect_dma source(%dma_start3A_25 : memref<51200x128xf32, #tpu.memory_space<hbm>>) target(%dma_start3A_19 : memref<128x128xf32, #tpu.memory_space<vmem>>) offsets(%dma_start3A_22 : memref<128xi32, #tpu.memory_space<vmem>>) semaphore(%arg7 : memref<!tpu.dma_semaphore, #tpu.memory_space<semaphore_mem>>)
    %dma_wait3A = arith.constant 0 : i32
    %dma_wait3A_26 = arith.constant 0 : i32
    %dma_wait3A_27 = arith.constant 0 : i32
    %dma_wait3A_28 = tpu.memref_slice %arg6[%dma_wait3A_26, %dma_wait3A_27] : memref<256x128xf32, #tpu.memory_space<vmem>> -> memref<128x128xf32, #tpu.memory_space<vmem>>
    %dma_wait3A_29 = arith.constant 0 : i32
    %dma_wait3A_30 = tpu.memref_slice %arg5[%dma_wait3A, %dma_wait3A_29] : memref<2x128xi32, #tpu.memory_space<vmem>> -> memref<1x128xi32, #tpu.memory_space<vmem>>
    %dma_wait3A_31 = tpu.memref_squeeze %dma_wait3A_30 : memref<1x128xi32, #tpu.memory_space<vmem>> -> memref<128xi32, #tpu.memory_space<vmem>>
    %dma_wait3A_32 = arith.constant 0 : i32
    %dma_wait3A_33 = arith.constant 0 : i32
    %dma_wait3A_34 = tpu.memref_slice %arg2[%dma_wait3A_32, %dma_wait3A_33] : memref<51200x128xf32, #tpu.memory_space<hbm>> -> memref<51200x128xf32, #tpu.memory_space<hbm>>
    tpu.wait_indirect_dma semaphore(%arg7 : memref<!tpu.dma_semaphore, #tpu.memory_space<semaphore_mem>>) src(%dma_wait3A_34 : memref<51200x128xf32, #tpu.memory_space<hbm>>) dst(%dma_wait3A_28 : memref<128x128xf32, #tpu.memory_space<vmem>>)
    %dma_wait3A_35 = arith.constant 1 : i32
    %dma_wait3A_36 = arith.constant 128 : i32
    %dma_wait3A_37 = arith.constant 0 : i32
    %dma_wait3A_38 = tpu.memref_slice %arg6[%dma_wait3A_36, %dma_wait3A_37] : memref<256x128xf32, #tpu.memory_space<vmem>> -> memref<128x128xf32, #tpu.memory_space<vmem>>
    %dma_wait3A_39 = arith.constant 0 : i32
    %dma_wait3A_40 = tpu.memref_slice %arg5[%dma_wait3A_35, %dma_wait3A_39] : memref<2x128xi32, #tpu.memory_space<vmem>> -> memref<1x128xi32, #tpu.memory_space<vmem>>
    %dma_wait3A_41 = tpu.memref_squeeze %dma_wait3A_40 : memref<1x128xi32, #tpu.memory_space<vmem>> -> memref<128xi32, #tpu.memory_space<vmem>>
    %dma_wait3A_42 = arith.constant 0 : i32
    %dma_wait3A_43 = arith.constant 0 : i32
    %dma_wait3A_44 = tpu.memref_slice %arg2[%dma_wait3A_42, %dma_wait3A_43] : memref<51200x128xf32, #tpu.memory_space<hbm>> -> memref<51200x128xf32, #tpu.memory_space<hbm>>
    tpu.wait_indirect_dma semaphore(%arg7 : memref<!tpu.dma_semaphore, #tpu.memory_space<semaphore_mem>>) src(%dma_wait3A_44 : memref<51200x128xf32, #tpu.memory_space<hbm>>) dst(%dma_wait3A_38 : memref<128x128xf32, #tpu.memory_space<vmem>>)
    %mul3A_45 = arith.constant 512 : i32
    %mul3A_46 = arith.muli %add3A, %mul3A_45 : i32
    %add3A_47 = arith.constant 0 : i32
    %add3A_48 = arith.addi %mul3A_46, %add3A_47 : i32
    "tpu.region"() ({
      %run_scoped3A = tpu.sem_alloc : memref<!tpu.dma_semaphore, #tpu.memory_space<semaphore_mem>>
      %dma_start3A_99 = arith.constant 0 : i32
      %dma_start3A_100 = tpu.memref_slice %arg4[%add3A_48, %dma_start3A_99] : memref<16384x128xf32, #tpu.memory_space<hbm>> -> memref<256x128xf32, #tpu.memory_space<hbm>>
      %dma_start3A_101 = arith.constant 0 : i32
      %dma_start3A_102 = tpu.memref_slice %arg4[%add3A_48, %dma_start3A_101] : memref<16384x128xf32, #tpu.memory_space<hbm>> -> memref<256x128xf32, #tpu.memory_space<hbm>>
      tpu.enqueue_dma source(%arg6 : memref<256x128xf32, #tpu.memory_space<vmem>>) target(%dma_start3A_102 : memref<256x128xf32, #tpu.memory_space<hbm>>) target_semaphore(%run_scoped3A : memref<!tpu.dma_semaphore, #tpu.memory_space<semaphore_mem>>)
      %dma_wait3A_103 = arith.constant 0 : i32
      %dma_wait3A_104 = tpu.memref_slice %arg4[%add3A_48, %dma_wait3A_103] : memref<16384x128xf32, #tpu.memory_space<hbm>> -> memref<256x128xf32, #tpu.memory_space<hbm>>
      %dma_wait3A_105 = arith.constant 0 : i32
      %dma_wait3A_106 = tpu.memref_slice %arg4[%add3A_48, %dma_wait3A_105] : memref<16384x128xf32, #tpu.memory_space<hbm>> -> memref<256x128xf32, #tpu.memory_space<hbm>>
      tpu.wait_dma2 semaphore(%run_scoped3A : memref<!tpu.dma_semaphore, #tpu.memory_space<semaphore_mem>>) src(%arg6 : memref<256x128xf32, #tpu.memory_space<vmem>>) dst(%dma_wait3A_106 : memref<256x128xf32, #tpu.memory_space<hbm>>)
      tpu.yield
    }) : () -> ()
    %mul3A_49 = arith.constant 2 : i32
    %mul3A_50 = arith.muli %add3A, %mul3A_49 : i32
    %mul3A_51 = arith.constant 2 : i32
    %mul3A_52 = arith.muli %mul3A_50, %mul3A_51 : i32
    %add3A_53 = arith.constant 2 : i32
    %add3A_54 = arith.addi %mul3A_52, %add3A_53 : i32
    "tpu.region"() ({
      %run_scoped3A = tpu.sem_alloc : memref<!tpu.dma_semaphore, #tpu.memory_space<semaphore_mem>>
      %dma_start3A_99 = arith.constant 0 : i32
      %dma_start3A_100 = tpu.memref_slice %arg3[%add3A_54, %dma_start3A_99] : memref<128x128xi32, #tpu.memory_space<hbm>> -> memref<2x128xi32, #tpu.memory_space<hbm>>
      %dma_start3A_101 = arith.constant 0 : i32
      %dma_start3A_102 = tpu.memref_slice %arg3[%add3A_54, %dma_start3A_101] : memref<128x128xi32, #tpu.memory_space<hbm>> -> memref<2x128xi32, #tpu.memory_space<hbm>>
      tpu.enqueue_dma source(%dma_start3A_102 : memref<2x128xi32, #tpu.memory_space<hbm>>) target(%arg5 : memref<2x128xi32, #tpu.memory_space<vmem>>) target_semaphore(%run_scoped3A : memref<!tpu.dma_semaphore, #tpu.memory_space<semaphore_mem>>)
      %dma_wait3A_103 = arith.constant 0 : i32
      %dma_wait3A_104 = tpu.memref_slice %arg3[%add3A_54, %dma_wait3A_103] : memref<128x128xi32, #tpu.memory_space<hbm>> -> memref<2x128xi32, #tpu.memory_space<hbm>>
      %dma_wait3A_105 = arith.constant 0 : i32
      %dma_wait3A_106 = tpu.memref_slice %arg3[%add3A_54, %dma_wait3A_105] : memref<128x128xi32, #tpu.memory_space<hbm>> -> memref<2x128xi32, #tpu.memory_space<hbm>>
      tpu.wait_dma2 semaphore(%run_scoped3A : memref<!tpu.dma_semaphore, #tpu.memory_space<semaphore_mem>>) src(%dma_wait3A_106 : memref<2x128xi32, #tpu.memory_space<hbm>>) dst(%arg5 : memref<2x128xi32, #tpu.memory_space<vmem>>)
      tpu.yield
    }) : () -> ()
    %dma_start3A_55 = arith.constant 0 : i32
    %dma_start3A_56 = arith.constant 0 : i32
    %dma_start3A_57 = arith.constant 0 : i32
    %dma_start3A_58 = tpu.memref_slice %arg6[%dma_start3A_56, %dma_start3A_57] : memref<256x128xf32, #tpu.memory_space<vmem>> -> memref<128x128xf32, #tpu.memory_space<vmem>>
    %dma_start3A_59 = arith.constant 0 : i32
    %dma_start3A_60 = tpu.memref_slice %arg5[%dma_start3A_55, %dma_start3A_59] : memref<2x128xi32, #tpu.memory_space<vmem>> -> memref<1x128xi32, #tpu.memory_space<vmem>>
    %dma_start3A_61 = tpu.memref_squeeze %dma_start3A_60 : memref<1x128xi32, #tpu.memory_space<vmem>> -> memref<128xi32, #tpu.memory_space<vmem>>
    %dma_start3A_62 = arith.constant 0 : i32
    %dma_start3A_63 = arith.constant 0 : i32
    %dma_start3A_64 = tpu.memref_slice %arg2[%dma_start3A_62, %dma_start3A_63] : memref<51200x128xf32, #tpu.memory_space<hbm>> -> memref<51200x128xf32, #tpu.memory_space<hbm>>
    tpu.enqueue_indirect_dma source(%dma_start3A_64 : memref<51200x128xf32, #tpu.memory_space<hbm>>) target(%dma_start3A_58 : memref<128x128xf32, #tpu.memory_space<vmem>>) offsets(%dma_start3A_61 : memref<128xi32, #tpu.memory_space<vmem>>) semaphore(%arg7 : memref<!tpu.dma_semaphore, #tpu.memory_space<semaphore_mem>>)
    %dma_start3A_65 = arith.constant 1 : i32
    %dma_start3A_66 = arith.constant 128 : i32
    %dma_start3A_67 = arith.constant 0 : i32
    %dma_start3A_68 = tpu.memref_slice %arg6[%dma_start3A_66, %dma_start3A_67] : memref<256x128xf32, #tpu.memory_space<vmem>> -> memref<128x128xf32, #tpu.memory_space<vmem>>
    %dma_start3A_69 = arith.constant 0 : i32
    %dma_start3A_70 = tpu.memref_slice %arg5[%dma_start3A_65, %dma_start3A_69] : memref<2x128xi32, #tpu.memory_space<vmem>> -> memref<1x128xi32, #tpu.memory_space<vmem>>
    %dma_start3A_71 = tpu.memref_squeeze %dma_start3A_70 : memref<1x128xi32, #tpu.memory_space<vmem>> -> memref<128xi32, #tpu.memory_space<vmem>>
    %dma_start3A_72 = arith.constant 0 : i32
    %dma_start3A_73 = arith.constant 0 : i32
    %dma_start3A_74 = tpu.memref_slice %arg2[%dma_start3A_72, %dma_start3A_73] : memref<51200x128xf32, #tpu.memory_space<hbm>> -> memref<51200x128xf32, #tpu.memory_space<hbm>>
    tpu.enqueue_indirect_dma source(%dma_start3A_74 : memref<51200x128xf32, #tpu.memory_space<hbm>>) target(%dma_start3A_68 : memref<128x128xf32, #tpu.memory_space<vmem>>) offsets(%dma_start3A_71 : memref<128xi32, #tpu.memory_space<vmem>>) semaphore(%arg7 : memref<!tpu.dma_semaphore, #tpu.memory_space<semaphore_mem>>)
    %dma_wait3A_75 = arith.constant 0 : i32
    %dma_wait3A_76 = arith.constant 0 : i32
    %dma_wait3A_77 = arith.constant 0 : i32
    %dma_wait3A_78 = tpu.memref_slice %arg6[%dma_wait3A_76, %dma_wait3A_77] : memref<256x128xf32, #tpu.memory_space<vmem>> -> memref<128x128xf32, #tpu.memory_space<vmem>>
    %dma_wait3A_79 = arith.constant 0 : i32
    %dma_wait3A_80 = tpu.memref_slice %arg5[%dma_wait3A_75, %dma_wait3A_79] : memref<2x128xi32, #tpu.memory_space<vmem>> -> memref<1x128xi32, #tpu.memory_space<vmem>>
    %dma_wait3A_81 = tpu.memref_squeeze %dma_wait3A_80 : memref<1x128xi32, #tpu.memory_space<vmem>> -> memref<128xi32, #tpu.memory_space<vmem>>
    %dma_wait3A_82 = arith.constant 0 : i32
    %dma_wait3A_83 = arith.constant 0 : i32
    %dma_wait3A_84 = tpu.memref_slice %arg2[%dma_wait3A_82, %dma_wait3A_83] : memref<51200x128xf32, #tpu.memory_space<hbm>> -> memref<51200x128xf32, #tpu.memory_space<hbm>>
    tpu.wait_indirect_dma semaphore(%arg7 : memref<!tpu.dma_semaphore, #tpu.memory_space<semaphore_mem>>) src(%dma_wait3A_84 : memref<51200x128xf32, #tpu.memory_space<hbm>>) dst(%dma_wait3A_78 : memref<128x128xf32, #tpu.memory_space<vmem>>)
    %dma_wait3A_85 = arith.constant 1 : i32
    %dma_wait3A_86 = arith.constant 128 : i32
    %dma_wait3A_87 = arith.constant 0 : i32
    %dma_wait3A_88 = tpu.memref_slice %arg6[%dma_wait3A_86, %dma_wait3A_87] : memref<256x128xf32, #tpu.memory_space<vmem>> -> memref<128x128xf32, #tpu.memory_space<vmem>>
    %dma_wait3A_89 = arith.constant 0 : i32
    %dma_wait3A_90 = tpu.memref_slice %arg5[%dma_wait3A_85, %dma_wait3A_89] : memref<2x128xi32, #tpu.memory_space<vmem>> -> memref<1x128xi32, #tpu.memory_space<vmem>>
    %dma_wait3A_91 = tpu.memref_squeeze %dma_wait3A_90 : memref<1x128xi32, #tpu.memory_space<vmem>> -> memref<128xi32, #tpu.memory_space<vmem>>
    %dma_wait3A_92 = arith.constant 0 : i32
    %dma_wait3A_93 = arith.constant 0 : i32
    %dma_wait3A_94 = tpu.memref_slice %arg2[%dma_wait3A_92, %dma_wait3A_93] : memref<51200x128xf32, #tpu.memory_space<hbm>> -> memref<51200x128xf32, #tpu.memory_space<hbm>>
    tpu.wait_indirect_dma semaphore(%arg7 : memref<!tpu.dma_semaphore, #tpu.memory_space<semaphore_mem>>) src(%dma_wait3A_94 : memref<51200x128xf32, #tpu.memory_space<hbm>>) dst(%dma_wait3A_88 : memref<128x128xf32, #tpu.memory_space<vmem>>)
    %mul3A_95 = arith.constant 512 : i32
    %mul3A_96 = arith.muli %add3A, %mul3A_95 : i32
    %add3A_97 = arith.constant 256 : i32
    %add3A_98 = arith.addi %mul3A_96, %add3A_97 : i32
    "tpu.region"() ({
      %run_scoped3A = tpu.sem_alloc : memref<!tpu.dma_semaphore, #tpu.memory_space<semaphore_mem>>
      %dma_start3A_99 = arith.constant 0 : i32
      %dma_start3A_100 = tpu.memref_slice %arg4[%add3A_98, %dma_start3A_99] : memref<16384x128xf32, #tpu.memory_space<hbm>> -> memref<256x128xf32, #tpu.memory_space<hbm>>
      %dma_start3A_101 = arith.constant 0 : i32
      %dma_start3A_102 = tpu.memref_slice %arg4[%add3A_98, %dma_start3A_101] : memref<16384x128xf32, #tpu.memory_space<hbm>> -> memref<256x128xf32, #tpu.memory_space<hbm>>
      tpu.enqueue_dma source(%arg6 : memref<256x128xf32, #tpu.memory_space<vmem>>) target(%dma_start3A_102 : memref<256x128xf32, #tpu.memory_space<hbm>>) target_semaphore(%run_scoped3A : memref<!tpu.dma_semaphore, #tpu.memory_space<semaphore_mem>>)
      %dma_wait3A_103 = arith.constant 0 : i32
      %dma_wait3A_104 = tpu.memref_slice %arg4[%add3A_98, %dma_wait3A_103] : memref<16384x128xf32, #tpu.memory_space<hbm>> -> memref<256x128xf32, #tpu.memory_space<hbm>>
      %dma_wait3A_105 = arith.constant 0 : i32
      %dma_wait3A_106 = tpu.memref_slice %arg4[%add3A_98, %dma_wait3A_105] : memref<16384x128xf32, #tpu.memory_space<hbm>> -> memref<256x128xf32, #tpu.memory_space<hbm>>
      tpu.wait_dma2 semaphore(%run_scoped3A : memref<!tpu.dma_semaphore, #tpu.memory_space<semaphore_mem>>) src(%arg6 : memref<256x128xf32, #tpu.memory_space<vmem>>) dst(%dma_wait3A_106 : memref<256x128xf32, #tpu.memory_space<hbm>>)
      tpu.yield
    }) : () -> ()
    return
  }
}

module attributes {stable_mosaic.version = 14 : i64} {
  func.func @_transpose_body(%arg0: i32, %arg1: memref<64x6400xf32, #tpu.memory_space<vmem>>, %arg2: memref<64x6400xf32, #tpu.memory_space<vmem>>, %arg3: memref<6400x128xf32, #tpu.memory_space<vmem>>) attributes {dimension_semantics = [#tpu.dimension_semantics<arbitrary>], iteration_bounds = array<i64: 8>, scalar_prefetch = 0 : i64, scratch_operands = 0 : i64, tpu.core_type = #tpu.core_type<tc>, window_params = [{transform_indices = @transform_0, window_bounds = array<i64: 64, 6400>}, {transform_indices = @transform_1, window_bounds = array<i64: 64, 6400>}, {transform_indices = @transform_2, window_bounds = array<i64: 6400, 128>}]} {
    %iota3A = tpu.iota {dimensions = array<i32: 0>} : vector<64x64xi32>
    %iota3A_0 = tpu.iota {dimensions = array<i32: 1>} : vector<64x64xi32>
    %eq3A = arith.cmpi eq, %iota3A, %iota3A_0 : vector<64x64xi32>
    %convert_element_type3A = arith.extui %eq3A : vector<64x64xi1> to vector<64x64xi32>
    %convert_element_type3A_1 = arith.sitofp %convert_element_type3A : vector<64x64xi32> to vector<64x64xf32>
    %get3A = arith.constant 0 : index
    %get3A_2 = arith.constant 0 : index
    %get3A_3 = vector.load %arg1[%get3A, %get3A_2] : memref<64x6400xf32, #tpu.memory_space<vmem>>, vector<64x6400xf32>
    %dot_general3A = arith.constant dense<0.000000e+00> : vector<6400x64xf32>
    %dot_general3A_4 = tpu.matmul %get3A_3, %convert_element_type3A_1, %dot_general3A {dimension_numbers = #tpu.dot_dimension_numbers<[0], [0], [1], [1], [0, 1, 1, 1], [], []>, transpose_lhs_hint = false} : vector<64x6400xf32>, vector<64x64xf32>, vector<6400x64xf32> -> vector<6400x64xf32>
    %get3A_5 = arith.constant 0 : index
    %get3A_6 = arith.constant 0 : index
    %get3A_7 = vector.load %arg2[%get3A_5, %get3A_6] : memref<64x6400xf32, #tpu.memory_space<vmem>>, vector<64x6400xf32>
    %dot_general3A_8 = arith.constant dense<0.000000e+00> : vector<6400x64xf32>
    %dot_general3A_9 = tpu.matmul %get3A_7, %convert_element_type3A_1, %dot_general3A_8 {dimension_numbers = #tpu.dot_dimension_numbers<[0], [0], [1], [1], [0, 1, 1, 1], [], []>, transpose_lhs_hint = false} : vector<64x6400xf32>, vector<64x64xf32>, vector<6400x64xf32> -> vector<6400x64xf32>
    %concatenate3A = tpu.concatenate %dot_general3A_4, %dot_general3A_9 in 1 : vector<6400x64xf32>, vector<6400x64xf32> -> vector<6400x128xf32>
    %swap3A = arith.constant 0 : index
    %swap3A_10 = arith.constant 0 : index
    %swap3A_11 = vector.load %arg3[%swap3A, %swap3A_10] : memref<6400x128xf32, #tpu.memory_space<vmem>>, vector<6400x128xf32>
    tpu.vector_store %arg3[%swap3A, %swap3A_10], %concatenate3A {strides = array<i32>} : memref<6400x128xf32, #tpu.memory_space<vmem>>, vector<6400x128xf32>,
    return
  }
  func.func @transform_0(%arg0: i32) -> (i32, i32) {
    %c0_i32 = arith.constant 0 : i32
    %c0_i32_0 = arith.constant 0 : i32
    return %c0_i32, %arg0 : i32, i32
  }
  func.func @transform_1(%arg0: i32) -> (i32, i32) {
    %add3A = arith.constant 8 : i32
    %add3A_0 = arith.addi %arg0, %add3A : i32
    %min3A = arith.constant 15 : i32
    %min3A_1 = arith.minsi %add3A_0, %min3A : i32
    %c0_i32 = arith.constant 0 : i32
    %c0_i32_2 = arith.constant 0 : i32
    return %c0_i32, %min3A_1 : i32, i32
  }
  func.func @transform_2(%arg0: i32) -> (i32, i32) {
    %c0_i32 = arith.constant 0 : i32
    %c0_i32_0 = arith.constant 0 : i32
    return %arg0, %c0_i32 : i32, i32
  }
}

module attributes {stable_mosaic.version = 14 : i64} {
  func.func @_transpose_body(%arg0: i32, %arg1: memref<64x6400xf32, #tpu.memory_space<vmem>>, %arg2: memref<64x6400xf32, #tpu.memory_space<vmem>>, %arg3: memref<6400x128xf32, #tpu.memory_space<vmem>>) attributes {dimension_semantics = [#tpu.dimension_semantics<arbitrary>], iteration_bounds = array<i64: 80>, scalar_prefetch = 0 : i64, scratch_operands = 0 : i64, tpu.core_type = #tpu.core_type<tc>, window_params = [{transform_indices = @transform_0, window_bounds = array<i64: 64, 6400>}, {transform_indices = @transform_1, window_bounds = array<i64: 64, 6400>}, {transform_indices = @transform_2, window_bounds = array<i64: 6400, 128>}]} {
    %iota3A = tpu.iota {dimensions = array<i32: 0>} : vector<64x64xi32>
    %iota3A_0 = tpu.iota {dimensions = array<i32: 1>} : vector<64x64xi32>
    %eq3A = arith.cmpi eq, %iota3A, %iota3A_0 : vector<64x64xi32>
    %convert_element_type3A = arith.extui %eq3A : vector<64x64xi1> to vector<64x64xi32>
    %convert_element_type3A_1 = arith.sitofp %convert_element_type3A : vector<64x64xi32> to vector<64x64xf32>
    %get3A = arith.constant 0 : index
    %get3A_2 = arith.constant 0 : index
    %get3A_3 = vector.load %arg1[%get3A, %get3A_2] : memref<64x6400xf32, #tpu.memory_space<vmem>>, vector<64x6400xf32>
    %dot_general3A = arith.constant dense<0.000000e+00> : vector<6400x64xf32>
    %dot_general3A_4 = tpu.matmul %get3A_3, %convert_element_type3A_1, %dot_general3A {dimension_numbers = #tpu.dot_dimension_numbers<[0], [0], [1], [1], [0, 1, 1, 1], [], []>, transpose_lhs_hint = false} : vector<64x6400xf32>, vector<64x64xf32>, vector<6400x64xf32> -> vector<6400x64xf32>
    %get3A_5 = arith.constant 0 : index
    %get3A_6 = arith.constant 0 : index
    %get3A_7 = vector.load %arg2[%get3A_5, %get3A_6] : memref<64x6400xf32, #tpu.memory_space<vmem>>, vector<64x6400xf32>
    %dot_general3A_8 = arith.constant dense<0.000000e+00> : vector<6400x64xf32>
    %dot_general3A_9 = tpu.matmul %get3A_7, %convert_element_type3A_1, %dot_general3A_8 {dimension_numbers = #tpu.dot_dimension_numbers<[0], [0], [1], [1], [0, 1, 1, 1], [], []>, transpose_lhs_hint = false} : vector<64x6400xf32>, vector<64x64xf32>, vector<6400x64xf32> -> vector<6400x64xf32>
    %concatenate3A = tpu.concatenate %dot_general3A_4, %dot_general3A_9 in 1 : vector<6400x64xf32>, vector<6400x64xf32> -> vector<6400x128xf32>
    %swap3A = arith.constant 0 : index
    %swap3A_10 = arith.constant 0 : index
    %swap3A_11 = vector.load %arg3[%swap3A, %swap3A_10] : memref<6400x128xf32, #tpu.memory_space<vmem>>, vector<6400x128xf32>
    tpu.vector_store %arg3[%swap3A, %swap3A_10], %concatenate3A {strides = array<i32>} : memref<6400x128xf32, #tpu.memory_space<vmem>>, vector<6400x128xf32>,
    return
  }
  func.func @transform_0(%arg0: i32) -> (i32, i32) {
    %c0_i32 = arith.constant 0 : i32
    %c0_i32_0 = arith.constant 0 : i32
    return %c0_i32, %arg0 : i32, i32
  }
  func.func @transform_1(%arg0: i32) -> (i32, i32) {
    %add3A = arith.constant 80 : i32
    %add3A_0 = arith.addi %arg0, %add3A : i32
    %min3A = arith.constant 156 : i32
    %min3A_1 = arith.minsi %add3A_0, %min3A : i32
    %c0_i32 = arith.constant 0 : i32
    %c0_i32_2 = arith.constant 0 : i32
    return %c0_i32, %min3A_1 : i32, i32
  }
  func.func @transform_2(%arg0: i32) -> (i32, i32) {
    %c0_i32 = arith.constant 0 : i32
    %c0_i32_0 = arith.constant 0 : i32
    return %arg0, %c0_i32 : i32, i32
  }
}

module attributes {stable_mosaic.version = 14 : i64} {
  func.func @_mlp_body(%arg0: i32, %arg1: memref<2048x128xf32, #tpu.memory_space<vmem>>, %arg2: memref<2048x128xf32, #tpu.memory_space<vmem>>, %arg3: memref<2048x32xf32, #tpu.memory_space<vmem>>, %arg4: memref<2048x1xi32, #tpu.memory_space<vmem>>, %arg5: memref<2048x1xi32, #tpu.memory_space<vmem>>, %arg6: memref<160x256xf32, #tpu.memory_space<vmem>>, %arg7: memref<1x256xf32, #tpu.memory_space<vmem>>, %arg8: memref<256x128xf32, #tpu.memory_space<vmem>>, %arg9: memref<1x128xf32, #tpu.memory_space<vmem>>, %arg10: memref<1x128xf32, #tpu.memory_space<vmem>>, %arg11: memref<1x1xf32, #tpu.memory_space<vmem>>, %arg12: memref<2048x1xf32, #tpu.memory_space<vmem>>) attributes {dimension_semantics = [#tpu.dimension_semantics<arbitrary>], iteration_bounds = array<i64: 8>, scalar_prefetch = 0 : i64, scratch_operands = 0 : i64, tpu.core_type = #tpu.core_type<tc>, window_params = [{transform_indices = @transform_0, window_bounds = array<i64: 2048, 128>}, {transform_indices = @transform_1, window_bounds = array<i64: 2048, 128>}, {transform_indices = @transform_2, window_bounds = array<i64: 2048, 32>}, {transform_indices = @transform_3, window_bounds = array<i64: 2048, 1>}, {transform_indices = @transform_4, window_bounds = array<i64: 2048, 1>}, {pipeline_mode = #tpu.pipeline_mode<synchronous>, transform_indices = @transform_5, window_bounds = array<i64: 160, 256>}, {pipeline_mode = #tpu.pipeline_mode<synchronous>, transform_indices = @transform_6, window_bounds = array<i64: 1, 256>}, {pipeline_mode = #tpu.pipeline_mode<synchronous>, transform_indices = @transform_7, window_bounds = array<i64: 256, 128>}, {pipeline_mode = #tpu.pipeline_mode<synchronous>, transform_indices = @transform_8, window_bounds = array<i64: 1, 128>}, {pipeline_mode = #tpu.pipeline_mode<synchronous>, transform_indices = @transform_9, window_bounds = array<i64: 1, 128>}, {pipeline_mode = #tpu.pipeline_mode<synchronous>, transform_indices = @transform_10, window_bounds = array<i64: 1, 1>}, {transform_indices = @transform_11, window_bounds = array<i64: 2048, 1>}]} {
    %get3A = arith.constant 0 : index
    %get3A_0 = arith.constant 0 : index
    %get3A_1 = vector.load %arg4[%get3A, %get3A_0] : memref<2048x1xi32, #tpu.memory_space<vmem>>, vector<2048x1xi32>
    %gt3A = arith.constant 0 : i32
    %gt3A_2 = vector.broadcast %gt3A : i32 to vector<2048x1xi32>
    %gt3A_3 = arith.cmpi sgt, %get3A_1, %gt3A_2 : vector<2048x1xi32>
    %get3A_4 = arith.constant 0 : index
    %get3A_5 = arith.constant 64 : index
    %get3A_6 = vector.load %arg1[%get3A_4, %get3A_5] : memref<2048x128xf32, #tpu.memory_space<vmem>>, vector<2048x64xf32>
    %get3A_7 = arith.constant 0 : index
    %get3A_8 = arith.constant 0 : index
    %get3A_9 = vector.load %arg1[%get3A_7, %get3A_8] : memref<2048x128xf32, #tpu.memory_space<vmem>>, vector<2048x64xf32>
    %broadcast_in_dim3A = vector.shape_cast %gt3A_3 : vector<2048x1xi1> to vector<2048x1xi1>
    %broadcast_in_dim3A_10 = vector.broadcast %broadcast_in_dim3A : vector<2048x1xi1> to vector<2048x64xi1>
    %select_n3A = arith.select %broadcast_in_dim3A_10, %get3A_6, %get3A_9 : vector<2048x64xi1>, vector<2048x64xf32>
    %get3A_11 = arith.constant 0 : index
    %get3A_12 = arith.constant 0 : index
    %get3A_13 = vector.load %arg5[%get3A_11, %get3A_12] : memref<2048x1xi32, #tpu.memory_space<vmem>>, vector<2048x1xi32>
    %gt3A_14 = arith.constant 0 : i32
    %gt3A_15 = vector.broadcast %gt3A_14 : i32 to vector<2048x1xi32>
    %gt3A_16 = arith.cmpi sgt, %get3A_13, %gt3A_15 : vector<2048x1xi32>
    %get3A_17 = arith.constant 0 : index
    %get3A_18 = arith.constant 64 : index
    %get3A_19 = vector.load %arg2[%get3A_17, %get3A_18] : memref<2048x128xf32, #tpu.memory_space<vmem>>, vector<2048x64xf32>
    %get3A_20 = arith.constant 0 : index
    %get3A_21 = arith.constant 0 : index
    %get3A_22 = vector.load %arg2[%get3A_20, %get3A_21] : memref<2048x128xf32, #tpu.memory_space<vmem>>, vector<2048x64xf32>
    %broadcast_in_dim3A_23 = vector.shape_cast %gt3A_16 : vector<2048x1xi1> to vector<2048x1xi1>
    %broadcast_in_dim3A_24 = vector.broadcast %broadcast_in_dim3A_23 : vector<2048x1xi1> to vector<2048x64xi1>
    %select_n3A_25 = arith.select %broadcast_in_dim3A_24, %get3A_19, %get3A_22 : vector<2048x64xi1>, vector<2048x64xf32>
    %get3A_26 = arith.constant 0 : index
    %get3A_27 = arith.constant 0 : index
    %get3A_28 = vector.load %arg6[%get3A_26, %get3A_27] : memref<160x256xf32, #tpu.memory_space<vmem>>, vector<160x256xf32>
    %slice3A = vector.extract_strided_slice %get3A_28 {offsets = [0, 0], sizes = [64, 256], strides = [1, 1]} : vector<160x256xf32> to vector<64x256xf32>
    %dot_general3A = arith.constant dense<0.000000e+00> : vector<2048x256xf32>
    %dot_general3A_29 = tpu.matmul %select_n3A, %slice3A, %dot_general3A {dimension_numbers = #tpu.dot_dimension_numbers<[1], [0], [0], [1], [0, 0, 1, 1], [], []>, transpose_lhs_hint = false} : vector<2048x64xf32>, vector<64x256xf32>, vector<2048x256xf32> -> vector<2048x256xf32>
    %slice3A_30 = vector.extract_strided_slice %get3A_28 {offsets = [64, 0], sizes = [64, 256], strides = [1, 1]} : vector<160x256xf32> to vector<64x256xf32>
    %dot_general3A_31 = arith.constant dense<0.000000e+00> : vector<2048x256xf32>
    %dot_general3A_32 = tpu.matmul %select_n3A_25, %slice3A_30, %dot_general3A_31 {dimension_numbers = #tpu.dot_dimension_numbers<[1], [0], [0], [1], [0, 0, 1, 1], [], []>, transpose_lhs_hint = false} : vector<2048x64xf32>, vector<64x256xf32>, vector<2048x256xf32> -> vector<2048x256xf32>
    %add3A = arith.addf %dot_general3A_29, %dot_general3A_32 : vector<2048x256xf32>
    %get3A_33 = arith.constant 0 : index
    %get3A_34 = arith.constant 0 : index
    %get3A_35 = vector.load %arg3[%get3A_33, %get3A_34] : memref<2048x32xf32, #tpu.memory_space<vmem>>, vector<2048x32xf32>
    %slice3A_36 = vector.extract_strided_slice %get3A_28 {offsets = [128, 0], sizes = [32, 256], strides = [1, 1]} : vector<160x256xf32> to vector<32x256xf32>
    %dot_general3A_37 = arith.constant dense<0.000000e+00> : vector<2048x256xf32>
    %dot_general3A_38 = tpu.matmul %get3A_35, %slice3A_36, %dot_general3A_37 {dimension_numbers = #tpu.dot_dimension_numbers<[1], [0], [0], [1], [0, 0, 1, 1], [], []>, transpose_lhs_hint = false} : vector<2048x32xf32>, vector<32x256xf32>, vector<2048x256xf32> -> vector<2048x256xf32>
    %add3A_39 = arith.addf %add3A, %dot_general3A_38 : vector<2048x256xf32>
    %get3A_40 = arith.constant 0 : index
    %get3A_41 = arith.constant 0 : index
    %get3A_42 = vector.load %arg7[%get3A_40, %get3A_41] : memref<1x256xf32, #tpu.memory_space<vmem>>, vector<1x256xf32>
    %add3A_43 = vector.broadcast %get3A_42 : vector<1x256xf32> to vector<2048x256xf32>
    %add3A_44 = arith.addf %add3A_39, %add3A_43 : vector<2048x256xf32>
    %max3A = arith.constant 0.000000e+00 : f32
    %max3A_45 = vector.broadcast %max3A : f32 to vector<2048x256xf32>
    %max3A_46 = arith.maximumf %add3A_44, %max3A_45 : vector<2048x256xf32>
    %get3A_47 = arith.constant 0 : index
    %get3A_48 = arith.constant 0 : index
    %get3A_49 = vector.load %arg8[%get3A_47, %get3A_48] : memref<256x128xf32, #tpu.memory_space<vmem>>, vector<256x128xf32>
    %dot_general3A_50 = arith.constant dense<0.000000e+00> : vector<2048x128xf32>
    %dot_general3A_51 = tpu.matmul %max3A_46, %get3A_49, %dot_general3A_50 {dimension_numbers = #tpu.dot_dimension_numbers<[1], [0], [0], [1], [0, 0, 1, 1], [], []>, transpose_lhs_hint = false} : vector<2048x256xf32>, vector<256x128xf32>, vector<2048x128xf32> -> vector<2048x128xf32>
    %get3A_52 = arith.constant 0 : index
    %get3A_53 = arith.constant 0 : index
    %get3A_54 = vector.load %arg9[%get3A_52, %get3A_53] : memref<1x128xf32, #tpu.memory_space<vmem>>, vector<1x128xf32>
    %add3A_55 = vector.broadcast %get3A_54 : vector<1x128xf32> to vector<2048x128xf32>
    %add3A_56 = arith.addf %dot_general3A_51, %add3A_55 : vector<2048x128xf32>
    %max3A_57 = arith.constant 0.000000e+00 : f32
    %max3A_58 = vector.broadcast %max3A_57 : f32 to vector<2048x128xf32>
    %max3A_59 = arith.maximumf %add3A_56, %max3A_58 : vector<2048x128xf32>
    %get3A_60 = arith.constant 0 : index
    %get3A_61 = arith.constant 0 : index
    %get3A_62 = vector.load %arg10[%get3A_60, %get3A_61] : memref<1x128xf32, #tpu.memory_space<vmem>>, vector<1x128xf32>
    %mul3A = vector.broadcast %get3A_62 : vector<1x128xf32> to vector<2048x128xf32>
    %mul3A_63 = arith.mulf %max3A_59, %mul3A : vector<2048x128xf32>
    %reduce_sum3A = arith.constant dense<0.000000e+00> : vector<2048xf32>
    %reduce_sum3A_64 = vector.multi_reduction <add>, %mul3A_63, %reduce_sum3A [1] : vector<2048x128xf32> to vector<2048xf32>
    %broadcast_in_dim3A_65 = vector.shape_cast %reduce_sum3A_64 : vector<2048xf32> to vector<2048x1xf32>
    %get3A_66 = arith.constant 0 : index
    %get3A_67 = arith.constant 0 : index
    %get3A_68 = vector.load %arg11[%get3A_66, %get3A_67] : memref<1x1xf32, #tpu.memory_space<vmem>>, vector<1x1xf32>
    %add3A_69 = vector.broadcast %get3A_68 : vector<1x1xf32> to vector<2048x1xf32>
    %add3A_70 = arith.addf %broadcast_in_dim3A_65, %add3A_69 : vector<2048x1xf32>
    %neg3A = arith.constant 0.000000e+00 : f32
    %neg3A_71 = vector.broadcast %neg3A : f32 to vector<2048x1xf32>
    %neg3A_72 = arith.subf %neg3A_71, %add3A_70 : vector<2048x1xf32>
    %exp3A = math.exp %neg3A_72 : vector<2048x1xf32>
    %add3A_73 = arith.constant 1.000000e+00 : f32
    %add3A_74 = vector.broadcast %add3A_73 : f32 to vector<2048x1xf32>
    %add3A_75 = arith.addf %add3A_74, %exp3A : vector<2048x1xf32>
    %div3A = arith.constant 1.000000e+00 : f32
    %div3A_76 = vector.broadcast %div3A : f32 to vector<2048x1xf32>
    %div3A_77 = arith.divf %div3A_76, %add3A_75 : vector<2048x1xf32>
    %swap3A = arith.constant 0 : index
    %swap3A_78 = arith.constant 0 : index
    %swap3A_79 = vector.load %arg12[%swap3A, %swap3A_78] : memref<2048x1xf32, #tpu.memory_space<vmem>>, vector<2048x1xf32>
    tpu.vector_store %arg12[%swap3A, %swap3A_78], %div3A_77 {strides = array<i32>} : memref<2048x1xf32, #tpu.memory_space<vmem>>, vector<2048x1xf32>,
    return
  }
  func.func @transform_0(%arg0: i32) -> (i32, i32) {
    %c0_i32 = arith.constant 0 : i32
    %c0_i32_0 = arith.constant 0 : i32
    return %arg0, %c0_i32 : i32, i32
  }
  func.func @transform_1(%arg0: i32) -> (i32, i32) {
    %c0_i32 = arith.constant 0 : i32
    %c0_i32_0 = arith.constant 0 : i32
    return %arg0, %c0_i32 : i32, i32
  }
  func.func @transform_2(%arg0: i32) -> (i32, i32) {
    %c0_i32 = arith.constant 0 : i32
    %c0_i32_0 = arith.constant 0 : i32
    return %arg0, %c0_i32 : i32, i32
  }
  func.func @transform_3(%arg0: i32) -> (i32, i32) {
    %c0_i32 = arith.constant 0 : i32
    %c0_i32_0 = arith.constant 0 : i32
    return %arg0, %c0_i32 : i32, i32
  }
  func.func @transform_4(%arg0: i32) -> (i32, i32) {
    %c0_i32 = arith.constant 0 : i32
    %c0_i32_0 = arith.constant 0 : i32
    return %arg0, %c0_i32 : i32, i32
  }
  func.func @transform_5(%arg0: i32) -> (i32, i32) {
    %c0_i32 = arith.constant 0 : i32
    %c0_i32_0 = arith.constant 0 : i32
    %c0_i32_1 = arith.constant 0 : i32
    return %c0_i32, %c0_i32_0 : i32, i32
  }
  func.func @transform_6(%arg0: i32) -> (i32, i32) {
    %c0_i32 = arith.constant 0 : i32
    %c0_i32_0 = arith.constant 0 : i32
    %c0_i32_1 = arith.constant 0 : i32
    return %c0_i32, %c0_i32_0 : i32, i32
  }
  func.func @transform_7(%arg0: i32) -> (i32, i32) {
    %c0_i32 = arith.constant 0 : i32
    %c0_i32_0 = arith.constant 0 : i32
    %c0_i32_1 = arith.constant 0 : i32
    return %c0_i32, %c0_i32_0 : i32, i32
  }
  func.func @transform_8(%arg0: i32) -> (i32, i32) {
    %c0_i32 = arith.constant 0 : i32
    %c0_i32_0 = arith.constant 0 : i32
    %c0_i32_1 = arith.constant 0 : i32
    return %c0_i32, %c0_i32_0 : i32, i32
  }
  func.func @transform_9(%arg0: i32) -> (i32, i32) {
    %c0_i32 = arith.constant 0 : i32
    %c0_i32_0 = arith.constant 0 : i32
    %c0_i32_1 = arith.constant 0 : i32
    return %c0_i32, %c0_i32_0 : i32, i32
  }
  func.func @transform_10(%arg0: i32) -> (i32, i32) {
    %c0_i32 = arith.constant 0 : i32
    %c0_i32_0 = arith.constant 0 : i32
    %c0_i32_1 = arith.constant 0 : i32
    return %c0_i32, %c0_i32_0 : i32, i32
  }
  func.func @transform_11(%arg0: i32) -> (i32, i32) {
    %c0_i32 = arith.constant 0 : i32
    %c0_i32_0 = arith.constant 0 : i32
    return %arg0, %c0_i32 : i32, i32
  }
}

</mosaic_0001>

<sc_bundles>
// kernel: kernel.10.cloned.1.call-start
scs
__scs_entry_jumppad:
0x0: {  	(pc) =	sbr.rel $0x88, $3  }
0x1: {  	(tag) =	ssettag $0x0;
	lr =	simm.s32 $0x1  }
0x2: {  	[smem:$0x3F96] =	sst lr;
	_ =	strace $0xD0000000  }
0x3: {  	_ = 	snop  }
0x4: {  	_ = 	snop  }
0x5: {  	_ = 	snop  }
0x6: {  	_ = 	snop  }
0x7: {  	_ = 	snop  }
__scs_overlays_trampoline_lowered:
0x8: {  	[smem:$0x3FA5] =	sst s0  }
0x9: {  	[smem:$0x3FA6] =	sst s1  }
0xa: {  	[smem:$0x3FA7] =	sst s2  }
0xb: {  	[smem:$0x3FA8] =	sst s3  }
0xc: {  	[smem:$0x3FA9] =	sst s4  }
0xd: {  	[smem:$0x3FAA] =	sst s5  }
0xe: {  	[smem:$0x3FAB] =	sst s6  }
0xf: {  	[smem:$0x3FAC] =	sst s7  }
0x10: {  	[smem:$0x3FAD] =	sst s8  }
0x11: {  	[smem:$0x3FAE] =	sst s9;
	s0 =	simm.s32 @!p0 $0x0  }
0x12: {  	s1 =	sld [smem:$0x3F94];
	s0 =	simm.s32 @p0 $0x1  }
0x13: {  	[smem:$0x3FAF] =	sst s0;
	s0 =	simm.s32 @!p1 $0x0  }
0x14: {  	s2 =	sld [smem:$0x3F93];
	s0 =	simm.s32 @p1 $0x1  }
0x15: {  	[smem:$0x3FB0] =	sst s0;
	s0 =	simm.s32 @!p2 $0x0  }
0x16: {  	s3 =	sld [smem:$0x3FDB];
	s0 =	simm.s32 @p2 $0x1  }
0x17: {  	s4 =	simm.s32 $0x1BF5;
	[smem:$0x3FB2] =	sst s0  }
0x18: {  	s0 =	sld [smem:$0x3F95];
	_ =	swait.ge [sflag:s4], $0x0  }
0x19: {  	s7 =	sld [smem:$0x3F96]  }
0x1a: {  	s8 =	sadd.s32 $0xFFFFE003, lr  }
0x1b: {  	s9 =	sadd.s32 $0xFFFFFEF7, lr;
	s5 =	simm.s32 $0xFFFFFFFF;
	p2 =	slt.u32 s8, $0xFFFFF086  }
0x1c: {  	p1 =	slt.u32 s9, $0xF7A;
	s5 =	simm.s32 @!p2 $0x0  }
0x1d: {  	s5 =	simm.s32 @p1 $0x1;
	p0 =	seq.s32 s7, s2  }
0x1e: {  	s7 =	smul.u32 @!p0 $0xF7A, s2;
	p2 =	seq.s32 @!p0 s5, $0x0  }
0x1f: {  	s9 =	smul.u32 $0xF7A, s1;
	s8 =	simm.s32 @!p0 $0x1BF5;
	p2 =	por !p2, p0  }
0x20: {  	[sflag:s8] =	ssyncset.s32 @!p0 $0xFFFFF086;
	s6 =	sadd.s32 @!p0 s3, s7;
	s7 =	simm.s32 @!p0 $0x108  }
0x21: {  	s3 =	sadd.s32 s3, s9;
	s6 =	sadd.s32 @!p0 $0x88, s6;
	s7 =	simm.s32 @p2 $0x1082  }
0x22: {  	[simem:s7], [sflag:s8] =	dma.local @!p0 [hbm:s6], $0xF7A  }
0x23: {  	s9 =	sor.u32 $0xD0000000, s2;
	s6 =	simm.s32 $0x108;
	_ =	swait.ge @!p0 [sflag:s8], $0x0  }
0x24: {  	s3 =	sadd.s32 $0x88, s3;
	s6 =	simm.s32 @!p1 $0x1082;
	[sflag:s4] =	ssyncset.s32 $0xFFFFF086  }
0x25: {  	[simem:s6], [sflag:s4] =	dma.local [hbm:s3], $0xF7A  }
0x26: {  	[smem:$0x3F96] =	sst s1;
	(tag) =	ssettag s2;
	_ =	strace s9  }
0x27: {  	s1 =	sld [smem:$0x3FA6]  }
0x28: {  	s2 =	sld [smem:$0x3FA7]  }
0x29: {  	s4 =	sld [smem:$0x3FA9]  }
0x2a: {  	p0 =	seq.s32 s5, $0x0;
	s5 =	sld [smem:$0x3FAA]  }
0x2b: {  	s6 =	sld [smem:$0x3FAB]  }
0x2c: {  	s7 =	sld [smem:$0x3FAC]  }
0x2d: {  	s3 =	simm.s32 $0x108;
	s8 =	sld [smem:$0x3FAD]  }
0x2e: {  	s3 =	simm.s32 @!p0 $0x1082;
	s9 =	sld [smem:$0x3FAE]  }
0x2f: {  	lr =	sadd.s32 s0, s3;
	s0 =	sld [smem:$0x3FA5]  }
0x30: {  	s3 =	sld [smem:$0x3FA8]  }
0x31: {  	[smem:$0x3FB1] =	sst s10  }
0x32: {  	s10 =	sld [smem:$0x3FAF];
	_ =	sdelay $0x3  }
0x33: {  	p0 =	seq.s32 s10, $0x1;
	s10 =	sld [smem:$0x3FB1];
	_ =	sdelay $0x3  }
0x34: {  	[smem:$0x3FB1] =	sst s10  }
0x35: {  	s10 =	sld [smem:$0x3FB0];
	_ =	sdelay $0x3  }
0x36: {  	p1 =	seq.s32 s10, $0x1;
	s10 =	sld [smem:$0x3FB1];
	_ =	sdelay $0x3  }
0x37: {  	[smem:$0x3FB1] =	sst s10  }
0x38: {  	s10 =	sld [smem:$0x3FB2]  }
0x39: {  	_ = 	snop;
	(pc) =	sbr.ind lr, $3  }
0x3a: {  	_ = 	snop  }
0x3b: {  	_ = 	snop  }
0x3c: {  	p2 =	seq.s32 s10, $0x1;
	s10 =	sld [smem:$0x3FB1]  }
0x3d: {  	_ =	shalt  }
0x3e: {  	_ =	shalt  }
0x3f: {  	_ =	shalt  }
0x40: {  	_ =	shalt  }
0x41: {  	_ =	shalt  }
0x42: {  	_ =	shalt  }
0x43: {  	_ =	shalt  }
0x44: {  	_ =	shalt  }
0x45: {  	_ =	shalt  }
0x46: {  	_ =	shalt  }
0x47: {  	_ =	shalt  }
0x48: {  	_ =	shalt  }
0x49: {  	_ =	shalt  }
0x4a: {  	_ =	shalt  }
0x4b: {  	_ =	shalt  }
0x4c: {  	_ =	shalt  }
0x4d: {  	_ =	shalt  }
0x4e: {  	_ =	shalt  }
0x4f: {  	_ =	shalt  }
0x50: {  	_ =	shalt  }
0x51: {  	_ =	shalt  }
0x52: {  	_ =	shalt  }
0x53: {  	_ =	shalt  }
0x54: {  	_ =	shalt  }
0x55: {  	_ =	shalt  }
0x56: {  	_ =	shalt  }
0x57: {  	_ =	shalt  }
0x58: {  	_ =	shalt  }
0x59: {  	_ =	shalt  }
0x5a: {  	_ =	shalt  }
0x5b: {  	_ =	shalt  }
0x5c: {  	_ =	shalt  }
0x5d: {  	_ =	shalt  }
0x5e: {  	_ =	shalt  }
0x5f: {  	_ =	shalt  }
0x60: {  	_ =	shalt  }
0x61: {  	_ =	shalt  }
0x62: {  	_ =	shalt  }
0x63: {  	_ =	shalt  }
0x64: {  	_ =	shalt  }
0x65: {  	_ =	shalt  }
0x66: {  	_ =	shalt  }
0x67: {  	_ =	shalt  }
0x68: {  	_ =	shalt  }
0x69: {  	_ =	shalt  }
0x6a: {  	_ =	shalt  }
0x6b: {  	_ =	shalt  }
0x6c: {  	_ =	shalt  }
0x6d: {  	_ =	shalt  }
0x6e: {  	_ =	shalt  }
0x6f: {  	_ =	shalt  }
0x70: {  	_ =	shalt  }
0x71: {  	_ =	shalt  }
0x72: {  	_ =	shalt  }
0x73: {  	_ =	shalt  }
0x74: {  	_ =	shalt  }
0x75: {  	_ =	shalt  }
0x76: {  	_ =	shalt  }
0x77: {  	_ =	shalt  }
0x78: {  	_ =	shalt  }
0x79: {  	_ =	shalt  }
0x7a: {  	_ =	shalt  }
0x7b: {  	_ =	shalt  }
0x7c: {  	_ =	shalt  }
0x7d: {  	_ =	shalt  }
0x7e: {  	_ =	shalt  }
0x7f: {  	_ =	shalt  }
0x80: {  	_ =	shalt  }
0x81: {  	_ =	shalt  }
0x82: {  	_ =	shalt  }
0x83: {  	_ =	shalt  }
0x84: {  	_ =	shalt  }
0x85: {  	_ =	shalt  }
0x86: {  	_ =	shalt  }
0x87: {  	_ =	shalt  }
.Lfunc_end0:
.L_simem_size_0:
called_computation.1_lowered:
.L_overlay_start_0:
0x88: {  	s2 =	sld [smem:$0x3FD9]  }
0x89: {  	s3 =	sld [smem:$0x3FFE];
	_ =	sdelay $0x1  }
0x8a: {  	s1 =	srdreg.scid  }
0x8b: {  	s0 =	sand.u32 $0x1, s1  }
0x8c: {  	s17 =	sshll.u32 s0, $0xA;
	s2 =	sadd.s32 s3, s2  }
0x8d: {  	s2 =	sadd.s32 s2, s17  }
0x8e: {  	[smem:$0x3FBD] =	sst s2  }
0x8f: {  	_ = 	snop  }
0x90: {  	(tm) =	ssettm $0x1  }
0x91: {  	s18 =	sld [smem:$0x3FFB];
	_ =	sdelay $0x3  }
0x92: {  	_ =	strace s18  }
0x93: {  	s2 =	sld [smem:$0x3FFC];
	_ =	sdelay $0x3  }
0x94: {  	_ =	strace s2  }
0x95: {  	s2 =	sld [smem:$0x3FFD];
	_ =	sdelay $0x3  }
0x96: {  	_ =	strace s2  }
0x97: {  	_ =	strace $0x8FFFFFFF  }
0x98: {  	s19 =	sld [smem:$0x3FDB];
	_ =	sdelay $0x1  }
0x99: {  	s20 =	simm.s32 $_scs_section_size  }
0x9a: {  	s4 =	simm.s32 $_size__tile_overlayer_lowered;
	s5 =	simm.s32 $_tile_overlayer_lowered  }
0x9b: {  	s6 =	simm.s32 $0x1BFF;
	s21 =	sshll.u32 s5, $0x1;
	s3 =	sadd.s32 s20, s19  }
0x9c: {  	s22 =	simm.s32 $0x0;
	s4 =	sshll.u32 s4, $0x1;
	s5 =	sadd.s32 s21, s3  }
0x9d: {  	[timem:s22], [sflag:s6] =	dma.local [hbm:s5], s4  }
0x9e: {  	_ =	swait.ge [sflag:s6], s4  }
0x9f: {  	s4 =	ssub.s32 $0x0, s4;
	[sflag:s6] =	ssyncset.done $0x0  }
0xa0: {  	[sflag:s6] =	ssyncadd.s32 s4;
	_ =	sdelay $0x1  }
0xa1: {  	s23 =	simm.s32 $0x1B8B  }
0xa2: {  	_ =	swait.ge [sflag:s23], $0x1  }
0xa3: {  	[sflag:s23] =	ssyncset.done $0x0  }
0xa4: {  	[sflag:s23] =	ssyncadd.s32 $0xFFFFFFFF  }
0xa5: {  	s4 =	sld [smem:$0x0]  }
0xa6: {  	s5 =	sand.u32 $0xFFFFFFFE, s1  }
0xa7: {  	p0 =	sne.s32 s1, s5  }
0xa8: {  	s5 =	sshll.u32 @p0 s5, $0xE  }
0xa9: {  	s5 =	sadd.s32 @p0 $0x11B8D, s5;
	s6 =	sshll.u32 @p0 s4, $0x11  }
0xaa: {  	s5 =	sor.u32 @p0 s6, s5  }
0xab: {  	[sflag:s5] =	ssyncadd.remote.s32 @p0 $0x1;
	_ =	sdelay $0x1  }
0xac: {  	s5 =	simm.s32 @p0 $0x1B8D  }
0xad: {  	_ =	swait.eq @p0 [sflag:s5], $0x1  }
0xae: {  	[sflag:s5] =	ssyncadd.s32 @p0 $0xFFFFFFFF  }
0xaf: {  	s6 =	sshll.u32 @!p0 s1, $0xE  }
0xb0: {  	s6 =	sor.u32 @!p0 $0x4000, s6;
	s5 =	simm.s32 @!p0 $0x1B8D  }
0xb1: {  	s4 =	sshll.u32 @!p0 s4, $0x11;
	s6 =	sadd.s32 @!p0 $0x11B8D, s6;
	_ =	swait.eq @!p0 [sflag:s5], $0x1  }
0xb2: {  	s4 =	sor.u32 @!p0 s4, s6;
	[sflag:s5] =	ssyncadd.s32 @!p0 $0xFFFFFFFF  }
0xb3: {  	s25 =	simm.s32 $0x1B8E;
	s24 =	sld [smem:$0x3FFE];
	[sflag:s4] =	ssyncadd.remote.s32 @!p0 $0x1  }
0xb4: {  	s26 =	simm.s32 $execute0_lowered;
	[smem:$0x3FD2] =	sst s25  }
0xb5: {  	s5 =	sshll.u32 s26, $0x1;
	_ =	strace $0x80000049;
	[dreg:$0x1] =	wrdreg $0xFFFFFFFF  }
0xb6: {  	s28 =	simm.s32 $_size_execute0_lowered;
	s3 =	sadd.s32 s3, s5;
	[dreg:$0x0] =	wrdreg $0x0  }
0xb7: {  	s5 =	sshll.u32 s28, $0x1;
	[dreg:$0x2] =	wrdreg s3  }
0xb8: {  	[dreg:$0x3] =	wrdreg s5  }
0xb9: {  	[dreg:$0x4] =	wrdreg $0xC0  }
0xba: {  	_ =	task [dreg:s22], $0x5FFFF  }
0xbb: {  	[dreg:$0x1] =	wrdreg $0xFFFFFFFF  }
0xbc: {  	[dreg:$0x0] =	wrdreg $0x60  }
0xbd: {  	[dreg:$0x2] =	wrdreg s24  }
0xbe: {  	[dreg:$0x3] =	wrdreg $0xA  }
0xbf: {  	_ =	task.clear_ibuf [dreg:s22], $0x4FFFF;
	_ =	strace $0x90000049  }
0xc0: {  	s29 =	simm.s32 $0xA;
	_ =	strace $0x8000004B  }
0xc1: {  	_ =	swait.ge [sflag:s29], $0x1  }
0xc2: {  	[sflag:s29] =	ssyncadd.s32 $0xFFFFFFFF  }
0xc3: {  	_ =	strace $0x9000004B  }
0xc4: {  	_ =	sfence  }
0xc5: {  	s30 =	sld [smem:$0x0];
	_ =	sdelay $0x2  }
0xc6: {  	s31 =	sshll.u32 s1, $0xD;
	s1 =	sshrl.u32 s1, $0x2  }
0xc7: {  	s4 =	sand.u32 $0x4000, s31;
	s1 =	sadd.s32 s1, s30  }
0xc8: {  	s0 =	sor.u32 s4, s0;
	s1 =	sshll.u32 s1, $0x11  }
0xc9: {  	s0 =	sor.u32 s1, s0  }
0xca: {  	s0 =	sadd.s32 $0x8F2B, s0  }
0xcb: {  	[sflag:s0] =	ssyncadd.remote.s32 $0x1  }
0xcc: {  	_ =	sfence.sel $0xFFFF  }
0xcd: {  	[dreg:$0x0] =	wrdreg $0xFFFFFFFF;
	(pc) =	sbr.abs _section_cstart, $3  }
0xce: {  	[dreg:$0x1] =	wrdreg $0xFFFFFFFF  }
0xcf: {  	_ =	task.clear_ibuf [dreg:s22], $0x2FFFF;
	_ =	strace $0x9FFFFFFF  }
0xd0: {  	(tm) =	ssettm $0x7FFFFFFF  }
0xd1: {  	_ =	shalt  }
tec
execute0_lowered:
.L_overlay_start_1:
0x0: {  	(tag) =	ssettag $0x1  }
0x1: {  	s1 =	srdreg.scid  }
0x2: {  	s0 =	stileid.u32;
	s12 =	sand.u32 $0x1, s1  }
0x3: {  	s10 =	rddreg [dreg:$0x0];
	s4 =	sshll.u32 s0, $0x7;
	s3 =	sshll.u32 s12, $0x6  }
0x4: {  	s2 =	simm.s32 $0x0;
	s1 =	rddreg [dreg:$0x1];
	s3 =	sor.u32 s3, s4  }
0x5: {  	[smem:$0x7FF] =	sst s2;
	s11 =	sadd.s32 s3, s10  }
0x6: {  	_ =	strace $0x8000004A;
	s3 =	simm.s32 $0x2;
	s4 =	sadd.s32 $0x8DA600, s11  }
0x7: {  	[tilespmem:s2], [sflag:$0x2] =	stream.linear.gather [hbm4b:s4+s2], $0x100, $0x38;
	[tilespmem:$0x8100] =	vst v63  }
0x8: {  	_ =	swait.ge [sflag:s3], $0x100  }
0x9: {  	s6 =	simm.s32 $0x80;
	[sflag:s3] =	ssyncset.done $0x0  }
0xa: {  	s7 =	simm.s32 $0x100;
	s5 =	sadd.s32 $0x812600, s10;
	[sflag:s3] =	ssyncadd.s32 $0xFFFFFF00  }
0xb: {  	[tilespmem:s7], [sflag:$0x1] =	stream.indirect.gather [hbm4b:s5+s6], $0x80, s2, s6, $0xb8;
	[tilespmem:$0x8100] =	vst v63  }
0xc: {  	s8 =	simm.s32 $0x4100;
	s9 =	simm.s32 $0x1  }
0xd: {  	[tilespmem:s8], [sflag:$0x1] =	stream.indirect.gather [hbm4b:s5+s6], $0x80, s6, s6, $0xb8;
	[tilespmem:$0x8100] =	vst v63  }
0xe: {  	_ =	swait.ge [sflag:s9], $0x4000  }
0xf: {  	[sflag:s9] =	ssyncset.done $0x0  }
0x10: {  	s13 =	sshll.u32 s0, $0xE;
	s14 =	sshll.u32 s12, $0xD;
	[sflag:s9] =	ssyncadd.s32 $0xFFFFC000  }
0x11: {  	s13 =	sor.u32 s14, s13;
	_ =	swait.ge [sflag:s9], $0x4000  }
0x12: {  	s13 =	sadd.s32 s13, s10;
	[sflag:s9] =	ssyncset.done $0x0  }
0x13: {  	s10 =	sadd.s32 $0x8DAE00, s13;
	[sflag:s9] =	ssyncadd.s32 $0xFFFFC000  }
0x14: {  	[hbm4b:s10+s2] =	stream.linear.scatter [tilespmem:s7], [sflag:$0x2], $0x8000, $0x38;
	[tilespmem:$0x8100] =	vst v63  }
0x15: {  	_ =	swait.ge [sflag:s3], $0x8000  }
0x16: {  	[sflag:s3] =	ssyncset.done $0x0  }
0x17: {  	s11 =	sadd.s32 $0x8DA620, s11;
	[sflag:s3] =	ssyncadd.s32 $0xFFFF8000  }
0x18: {  	[tilespmem:s2], [sflag:$0x2] =	stream.linear.gather [hbm4b:s11+s2], $0x100, $0x38;
	[tilespmem:$0x8100] =	vst v63  }
0x19: {  	_ =	swait.ge [sflag:s3], $0x100  }
0x1a: {  	[sflag:s3] =	ssyncset.done $0x0  }
0x1b: {  	[sflag:s3] =	ssyncadd.s32 $0xFFFFFF00  }
0x1c: {  	[tilespmem:s7], [sflag:$0x1] =	stream.indirect.gather [hbm4b:s5+s6], $0x80, s2, s6, $0xb8;
	[tilespmem:$0x8100] =	vst v63  }
0x1d: {  	s12 =	ssub.s32 $0x2, s12  }
0x1e: {  	[tilespmem:s8], [sflag:$0x1] =	stream.indirect.gather [hbm4b:s5+s6], $0x80, s6, s6, $0xb8;
	[tilespmem:$0x8100] =	vst v63  }
0x1f: {  	s30 =	sshrl.u32 s12, $0x1;
	_ =	swait.ge [sflag:s9], $0x4000  }
0x20: {  	s14 =	ssub.s32 s12, s30;
	[sflag:s9] =	ssyncset.done $0x0  }
0x21: {  	s31 =	smax.u32 s14, $0x1;
	[sflag:s9] =	ssyncadd.s32 $0xFFFFC000  }
0x22: {  	p0 =	sne.s32 s31, $0x1;
	_ =	swait.ge [sflag:s9], $0x4000  }
.Ltmp0:
0x23: {  	[sflag:s9] =	ssyncset.done $0x0;
	(pc) =	sbr.rel @!p0 .LBB2_2-.Ltmp0, $4  }
0x24: {  	s12 =	sadd.s32 $0x8DBE00, s13;
	[sflag:s9] =	ssyncadd.s32 $0xFFFFC000  }
0x25: {  	[hbm4b:s12+s2] =	stream.linear.scatter [tilespmem:s7], [sflag:$0x2], $0x8000, $0x38;
	[tilespmem:$0x8100] =	vst v63  }
0x26: {  	_ =	swait.ge [sflag:s3], $0x8000  }
0x27: {  	s13 =	sadd.s32 $0xFFFFFFFF, s31;
	[sflag:s3] =	ssyncset.done $0x0  }
.LBB2_1:
0x28: {  	p0 =	sne.s32 s13, $0x1;
	s13 =	sadd.s32 $0xFFFFFFFF, s13;
	[sflag:s3] =	ssyncadd.s32 $0xFFFF8000  }
0x29: {  	[tilespmem:s2], [sflag:$0x2] =	stream.linear.gather [hbm4b:s4+s2], $0x100, $0x38;
	[tilespmem:$0x8100] =	vst v63  }
0x2a: {  	_ =	swait.ge [sflag:s3], $0x100  }
0x2b: {  	[sflag:s3] =	ssyncset.done $0x0  }
0x2c: {  	[sflag:s3] =	ssyncadd.s32 $0xFFFFFF00  }
0x2d: {  	[tilespmem:s7], [sflag:$0x1] =	stream.indirect.gather [hbm4b:s5+s6], $0x80, s2, s6, $0xb8;
	[tilespmem:$0x8100] =	vst v63  }
0x2e: {  	_ = 	snop  }
0x2f: {  	[tilespmem:s8], [sflag:$0x1] =	stream.indirect.gather [hbm4b:s5+s6], $0x80, s6, s6, $0xb8;
	[tilespmem:$0x8100] =	vst v63  }
0x30: {  	_ =	swait.ge [sflag:s9], $0x4000  }
0x31: {  	[sflag:s9] =	ssyncset.done $0x0  }
0x32: {  	[sflag:s9] =	ssyncadd.s32 $0xFFFFC000  }
0x33: {  	_ =	swait.ge [sflag:s9], $0x4000  }
0x34: {  	[sflag:s9] =	ssyncset.done $0x0  }
0x35: {  	[sflag:s9] =	ssyncadd.s32 $0xFFFFC000  }
0x36: {  	[hbm4b:s10+s2] =	stream.linear.scatter [tilespmem:s7], [sflag:$0x2], $0x8000, $0x38;
	[tilespmem:$0x8100] =	vst v63  }
0x37: {  	_ =	swait.ge [sflag:s3], $0x8000  }
0x38: {  	[sflag:s3] =	ssyncset.done $0x0  }
0x39: {  	[sflag:s3] =	ssyncadd.s32 $0xFFFF8000  }
0x3a: {  	[tilespmem:s2], [sflag:$0x2] =	stream.linear.gather [hbm4b:s11+s2], $0x100, $0x38;
	[tilespmem:$0x8100] =	vst v63  }
0x3b: {  	_ =	swait.ge [sflag:s3], $0x100  }
0x3c: {  	[sflag:s3] =	ssyncset.done $0x0  }
0x3d: {  	[sflag:s3] =	ssyncadd.s32 $0xFFFFFF00  }
0x3e: {  	[tilespmem:s7], [sflag:$0x1] =	stream.indirect.gather [hbm4b:s5+s6], $0x80, s2, s6, $0xb8;
	[tilespmem:$0x8100] =	vst v63  }
0x3f: {  	_ = 	snop  }
0x40: {  	[tilespmem:s8], [sflag:$0x1] =	stream.indirect.gather [hbm4b:s5+s6], $0x80, s6, s6, $0xb8;
	[tilespmem:$0x8100] =	vst v63  }
0x41: {  	_ =	swait.ge [sflag:s9], $0x4000  }
0x42: {  	[sflag:s9] =	ssyncset.done $0x0  }
0x43: {  	[sflag:s9] =	ssyncadd.s32 $0xFFFFC000  }
0x44: {  	_ =	swait.ge [sflag:s9], $0x4000  }
.Ltmp1:
0x45: {  	[sflag:s9] =	ssyncset.done $0x0;
	(pc) =	sbr.rel @p0 .LBB2_1-.Ltmp1, $4  }
0x46: {  	[sflag:s9] =	ssyncadd.s32 $0xFFFFC000  }
0x47: {  	[hbm4b:s12+s2] =	stream.linear.scatter [tilespmem:s7], [sflag:$0x2], $0x8000, $0x38;
	[tilespmem:$0x8100] =	vst v63  }
0x48: {  	_ =	swait.ge [sflag:s3], $0x8000  }
0x49: {  	[sflag:s3] =	ssyncset.done $0x0  }
.LBB2_2:
0x4a: {  	[sflag:s3] =	ssyncadd.s32 $0xFFFF8000  }
0x4b: {  	_ =	sfence.sel $0x180000  }
0x4c: {  	[bflag:$0x0] =	sbarrier.arrive $0xFFFF  }
0x4d: {  	p0 =	sne.s32 s0, $0x0;
	_ =	strace $0x9000004A  }
0x4e: {  	s0 =	sadd.s32 @!p0 $0x100000, s1;
	[bflag:$0x2] =	sbarrier.arrive $0xFFFF  }
0x4f: {  	[sflag:s0] =	ssyncadd.tile.s32 @!p0 $0x1;
	_ =	shalt  }
.Lfunc_end2:
_tile_overlayer_lowered:
.L_overlay_start_2:
0x50: {  	(tag) =	ssettag $0x2  }
0x51: {  	s0 =	rddreg [dreg:$0x0];
	s2 =	stileid.u32  }
0x52: {  	s1 =	rddreg [dreg:$0x1];
	p0 =	sne.s32 s2, $0x0  }
0x53: {  	s3 =	rddreg [dreg:$0x2];
	[bflag:$0x3] =	sbarrier.arrive $0xFFFF;
	s2 =	simm.s32 @!p0 $0x1C02  }
0x54: {  	[timem:s3], [sflag:s2] =	dma.local @!p0 [hbm:s0], s1  }
0x55: {  	s0 =	simm.s32 @!p0 $0x2  }
0x56: {  	_ =	swait.ge @!p0 [sflag:s0], s1  }
0x57: {  	s1 =	ssub.s32 @!p0 $0x0, s1;
	[sflag:s0] =	ssyncset.done @!p0 $0x0  }
0x58: {  	[sflag:s0] =	ssyncadd.s32 @!p0 s1  }
0x59: {  	[bflag:$0x3] =	sbarrier.arrive $0xFFFF  }
0x5a: {  	_ =	shalt  }

// kernel: kernel.7.cloned.1.call-start
scs
__scs_entry_jumppad:
0x0: {  	(pc) =	sbr.rel $0x88, $3  }
0x1: {  	(tag) =	ssettag $0x0;
	lr =	simm.s32 $0x1  }
0x2: {  	[smem:$0x3F96] =	sst lr;
	_ =	strace $0xD0000000  }
0x3: {  	_ = 	snop  }
0x4: {  	_ = 	snop  }
0x5: {  	_ = 	snop  }
0x6: {  	_ = 	snop  }
0x7: {  	_ = 	snop  }
__scs_overlays_trampoline_lowered:
0x8: {  	[smem:$0x3FA5] =	sst s0  }
0x9: {  	[smem:$0x3FA6] =	sst s1  }
0xa: {  	[smem:$0x3FA7] =	sst s2  }
0xb: {  	[smem:$0x3FA8] =	sst s3  }
0xc: {  	[smem:$0x3FA9] =	sst s4  }
0xd: {  	[smem:$0x3FAA] =	sst s5  }
0xe: {  	[smem:$0x3FAB] =	sst s6  }
0xf: {  	[smem:$0x3FAC] =	sst s7  }
0x10: {  	[smem:$0x3FAD] =	sst s8  }
0x11: {  	[smem:$0x3FAE] =	sst s9;
	s0 =	simm.s32 @!p0 $0x0  }
0x12: {  	s1 =	sld [smem:$0x3F94];
	s0 =	simm.s32 @p0 $0x1  }
0x13: {  	[smem:$0x3FAF] =	sst s0;
	s0 =	simm.s32 @!p1 $0x0  }
0x14: {  	s2 =	sld [smem:$0x3F93];
	s0 =	simm.s32 @p1 $0x1  }
0x15: {  	[smem:$0x3FB0] =	sst s0;
	s0 =	simm.s32 @!p2 $0x0  }
0x16: {  	s3 =	sld [smem:$0x3FDB];
	s0 =	simm.s32 @p2 $0x1  }
0x17: {  	s4 =	simm.s32 $0x1BF5;
	[smem:$0x3FB2] =	sst s0  }
0x18: {  	s0 =	sld [smem:$0x3F95];
	_ =	swait.ge [sflag:s4], $0x0  }
0x19: {  	s7 =	sld [smem:$0x3F96]  }
0x1a: {  	s8 =	sadd.s32 $0xFFFFE003, lr  }
0x1b: {  	s9 =	sadd.s32 $0xFFFFFEF7, lr;
	s5 =	simm.s32 $0xFFFFFFFF;
	p2 =	slt.u32 s8, $0xFFFFF086  }
0x1c: {  	p1 =	slt.u32 s9, $0xF7A;
	s5 =	simm.s32 @!p2 $0x0  }
0x1d: {  	s5 =	simm.s32 @p1 $0x1;
	p0 =	seq.s32 s7, s2  }
0x1e: {  	s7 =	smul.u32 @!p0 $0xF7A, s2;
	p2 =	seq.s32 @!p0 s5, $0x0  }
0x1f: {  	s9 =	smul.u32 $0xF7A, s1;
	s8 =	simm.s32 @!p0 $0x1BF5;
	p2 =	por !p2, p0  }
0x20: {  	[sflag:s8] =	ssyncset.s32 @!p0 $0xFFFFF086;
	s6 =	sadd.s32 @!p0 s3, s7;
	s7 =	simm.s32 @!p0 $0x108  }
0x21: {  	s3 =	sadd.s32 s3, s9;
	s6 =	sadd.s32 @!p0 $0x88, s6;
	s7 =	simm.s32 @p2 $0x1082  }
0x22: {  	[simem:s7], [sflag:s8] =	dma.local @!p0 [hbm:s6], $0xF7A  }
0x23: {  	s9 =	sor.u32 $0xD0000000, s2;
	s6 =	simm.s32 $0x108;
	_ =	swait.ge @!p0 [sflag:s8], $0x0  }
0x24: {  	s3 =	sadd.s32 $0x88, s3;
	s6 =	simm.s32 @!p1 $0x1082;
	[sflag:s4] =	ssyncset.s32 $0xFFFFF086  }
0x25: {  	[simem:s6], [sflag:s4] =	dma.local [hbm:s3], $0xF7A  }
0x26: {  	[smem:$0x3F96] =	sst s1;
	(tag) =	ssettag s2;
	_ =	strace s9  }
0x27: {  	s1 =	sld [smem:$0x3FA6]  }
0x28: {  	s2 =	sld [smem:$0x3FA7]  }
0x29: {  	s4 =	sld [smem:$0x3FA9]  }
0x2a: {  	p0 =	seq.s32 s5, $0x0;
	s5 =	sld [smem:$0x3FAA]  }
0x2b: {  	s6 =	sld [smem:$0x3FAB]  }
0x2c: {  	s7 =	sld [smem:$0x3FAC]  }
0x2d: {  	s3 =	simm.s32 $0x108;
	s8 =	sld [smem:$0x3FAD]  }
0x2e: {  	s3 =	simm.s32 @!p0 $0x1082;
	s9 =	sld [smem:$0x3FAE]  }
0x2f: {  	lr =	sadd.s32 s0, s3;
	s0 =	sld [smem:$0x3FA5]  }
0x30: {  	s3 =	sld [smem:$0x3FA8]  }
0x31: {  	[smem:$0x3FB1] =	sst s10  }
0x32: {  	s10 =	sld [smem:$0x3FAF];
	_ =	sdelay $0x3  }
0x33: {  	p0 =	seq.s32 s10, $0x1;
	s10 =	sld [smem:$0x3FB1];
	_ =	sdelay $0x3  }
0x34: {  	[smem:$0x3FB1] =	sst s10  }
0x35: {  	s10 =	sld [smem:$0x3FB0];
	_ =	sdelay $0x3  }
0x36: {  	p1 =	seq.s32 s10, $0x1;
	s10 =	sld [smem:$0x3FB1];
	_ =	sdelay $0x3  }
0x37: {  	[smem:$0x3FB1] =	sst s10  }
0x38: {  	s10 =	sld [smem:$0x3FB2]  }
0x39: {  	_ = 	snop;
	(pc) =	sbr.ind lr, $3  }
0x3a: {  	_ = 	snop  }
0x3b: {  	_ = 	snop  }
0x3c: {  	p2 =	seq.s32 s10, $0x1;
	s10 =	sld [smem:$0x3FB1]  }
0x3d: {  	_ =	shalt  }
0x3e: {  	_ =	shalt  }
0x3f: {  	_ =	shalt  }
0x40: {  	_ =	shalt  }
0x41: {  	_ =	shalt  }
0x42: {  	_ =	shalt  }
0x43: {  	_ =	shalt  }
0x44: {  	_ =	shalt  }
0x45: {  	_ =	shalt  }
0x46: {  	_ =	shalt  }
0x47: {  	_ =	shalt  }
0x48: {  	_ =	shalt  }
0x49: {  	_ =	shalt  }
0x4a: {  	_ =	shalt  }
0x4b: {  	_ =	shalt  }
0x4c: {  	_ =	shalt  }
0x4d: {  	_ =	shalt  }
0x4e: {  	_ =	shalt  }
0x4f: {  	_ =	shalt  }
0x50: {  	_ =	shalt  }
0x51: {  	_ =	shalt  }
0x52: {  	_ =	shalt  }
0x53: {  	_ =	shalt  }
0x54: {  	_ =	shalt  }
0x55: {  	_ =	shalt  }
0x56: {  	_ =	shalt  }
0x57: {  	_ =	shalt  }
0x58: {  	_ =	shalt  }
0x59: {  	_ =	shalt  }
0x5a: {  	_ =	shalt  }
0x5b: {  	_ =	shalt  }
0x5c: {  	_ =	shalt  }
0x5d: {  	_ =	shalt  }
0x5e: {  	_ =	shalt  }
0x5f: {  	_ =	shalt  }
0x60: {  	_ =	shalt  }
0x61: {  	_ =	shalt  }
0x62: {  	_ =	shalt  }
0x63: {  	_ =	shalt  }
0x64: {  	_ =	shalt  }
0x65: {  	_ =	shalt  }
0x66: {  	_ =	shalt  }
0x67: {  	_ =	shalt  }
0x68: {  	_ =	shalt  }
0x69: {  	_ =	shalt  }
0x6a: {  	_ =	shalt  }
0x6b: {  	_ =	shalt  }
0x6c: {  	_ =	shalt  }
0x6d: {  	_ =	shalt  }
0x6e: {  	_ =	shalt  }
0x6f: {  	_ =	shalt  }
0x70: {  	_ =	shalt  }
0x71: {  	_ =	shalt  }
0x72: {  	_ =	shalt  }
0x73: {  	_ =	shalt  }
0x74: {  	_ =	shalt  }
0x75: {  	_ =	shalt  }
0x76: {  	_ =	shalt  }
0x77: {  	_ =	shalt  }
0x78: {  	_ =	shalt  }
0x79: {  	_ =	shalt  }
0x7a: {  	_ =	shalt  }
0x7b: {  	_ =	shalt  }
0x7c: {  	_ =	shalt  }
0x7d: {  	_ =	shalt  }
0x7e: {  	_ =	shalt  }
0x7f: {  	_ =	shalt  }
0x80: {  	_ =	shalt  }
0x81: {  	_ =	shalt  }
0x82: {  	_ =	shalt  }
0x83: {  	_ =	shalt  }
0x84: {  	_ =	shalt  }
0x85: {  	_ =	shalt  }
0x86: {  	_ =	shalt  }
0x87: {  	_ =	shalt  }
.Lfunc_end0:
.L_simem_size_0:
called_computation_lowered:
.L_overlay_start_0:
0x88: {  	s2 =	sld [smem:$0x3FD9]  }
0x89: {  	s3 =	sld [smem:$0x3FFE];
	_ =	sdelay $0x1  }
0x8a: {  	s1 =	srdreg.scid  }
0x8b: {  	s0 =	sand.u32 $0x1, s1  }
0x8c: {  	s16 =	sshll.u32 s0, $0xA;
	s2 =	sadd.s32 s3, s2  }
0x8d: {  	s2 =	sadd.s32 s2, s16  }
0x8e: {  	[smem:$0x3FBD] =	sst s2  }
0x8f: {  	_ = 	snop  }
0x90: {  	(tm) =	ssettm $0x1  }
0x91: {  	s17 =	sld [smem:$0x3FFB];
	_ =	sdelay $0x3  }
0x92: {  	_ =	strace s17  }
0x93: {  	s2 =	sld [smem:$0x3FFC];
	_ =	sdelay $0x3  }
0x94: {  	_ =	strace s2  }
0x95: {  	s2 =	sld [smem:$0x3FFD];
	_ =	sdelay $0x3  }
0x96: {  	_ =	strace s2  }
0x97: {  	_ =	strace $0x8FFFFFFF  }
0x98: {  	s18 =	sld [smem:$0x3FDB];
	_ =	sdelay $0x1  }
0x99: {  	s19 =	simm.s32 $_scs_section_size  }
0x9a: {  	s4 =	simm.s32 $_size__tile_overlayer_lowered;
	s5 =	simm.s32 $_tile_overlayer_lowered  }
0x9b: {  	s22 =	simm.s32 $0x1BFF;
	s21 =	sshll.u32 s5, $0x1;
	s2 =	sadd.s32 s19, s18  }
0x9c: {  	s6 =	simm.s32 $0x0;
	s20 =	sshll.u32 s4, $0x1;
	s4 =	sadd.s32 s21, s2  }
0x9d: {  	[timem:s6], [sflag:s22] =	dma.local [hbm:s4], s20  }
0x9e: {  	_ =	swait.ge [sflag:s22], s20  }
0x9f: {  	s3 =	ssub.s32 $0x0, s20;
	[sflag:s22] =	ssyncset.done $0x0  }
0xa0: {  	[sflag:s22] =	ssyncadd.s32 s3;
	_ =	sdelay $0x1  }
0xa1: {  	s23 =	simm.s32 $0x1B8B  }
0xa2: {  	_ =	swait.ge [sflag:s23], $0x1  }
0xa3: {  	[sflag:s23] =	ssyncset.done $0x0  }
0xa4: {  	s25 =	simm.s32 $0x1B8E;
	s24 =	sld [smem:$0x3FFE];
	[sflag:s23] =	ssyncadd.s32 $0xFFFFFFFF  }
0xa5: {  	s26 =	simm.s32 $execute0_lowered;
	[smem:$0x3FD2] =	sst s25  }
0xa6: {  	s4 =	sshll.u32 s26, $0x1;
	_ =	strace $0x80000046;
	[dreg:$0x1] =	wrdreg $0xFFFFFFFF  }
0xa7: {  	s28 =	simm.s32 $_size_execute0_lowered;
	s2 =	sadd.s32 s2, s4;
	[dreg:$0x0] =	wrdreg $0x0  }
0xa8: {  	s4 =	sshll.u32 s28, $0x1;
	[dreg:$0x2] =	wrdreg s2  }
0xa9: {  	[dreg:$0x3] =	wrdreg s4  }
0xaa: {  	[dreg:$0x4] =	wrdreg $0xC0  }
0xab: {  	_ =	task [dreg:s6], $0x5FFFF  }
0xac: {  	[dreg:$0x1] =	wrdreg $0xFFFFFFFF  }
0xad: {  	[dreg:$0x0] =	wrdreg $0x60  }
0xae: {  	[dreg:$0x2] =	wrdreg s24  }
0xaf: {  	[dreg:$0x3] =	wrdreg $0x9  }
0xb0: {  	_ =	task.clear_ibuf [dreg:s6], $0x4FFFF;
	_ =	strace $0x90000046  }
0xb1: {  	s29 =	simm.s32 $0x9;
	_ =	strace $0x80000048  }
0xb2: {  	_ =	swait.ge [sflag:s29], $0x1  }
0xb3: {  	[sflag:s29] =	ssyncadd.s32 $0xFFFFFFFF  }
0xb4: {  	_ =	strace $0x90000048  }
0xb5: {  	_ =	sfence  }
0xb6: {  	s30 =	sld [smem:$0x0];
	_ =	sdelay $0x2  }
0xb7: {  	s31 =	sshll.u32 s1, $0xD;
	s1 =	sshrl.u32 s1, $0x2  }
0xb8: {  	s3 =	sand.u32 $0x4000, s31;
	s1 =	sadd.s32 s1, s30  }
0xb9: {  	s0 =	sor.u32 s3, s0;
	s1 =	sshll.u32 s1, $0x11  }
0xba: {  	s0 =	sor.u32 s1, s0  }
0xbb: {  	s0 =	sadd.s32 $0x8F2B, s0  }
0xbc: {  	[sflag:s0] =	ssyncadd.remote.s32 $0x1  }
0xbd: {  	_ =	sfence.sel $0xFFFF  }
0xbe: {  	[dreg:$0x0] =	wrdreg $0xFFFFFFFF;
	(pc) =	sbr.abs _section_cstart, $3  }
0xbf: {  	[dreg:$0x1] =	wrdreg $0xFFFFFFFF  }
0xc0: {  	_ =	task.clear_ibuf [dreg:s6], $0x2FFFF;
	_ =	strace $0x9FFFFFFF  }
0xc1: {  	(tm) =	ssettm $0x7FFFFFFF  }
tec
execute0_lowered:
.L_overlay_start_1:
0x0: {  	(tag) =	ssettag $0x1  }
0x1: {  	s1 =	srdreg.scid  }
0x2: {  	s0 =	stileid.u32;
	s12 =	sand.u32 $0x1, s1  }
0x3: {  	s10 =	rddreg [dreg:$0x0];
	s4 =	sshll.u32 s0, $0x7;
	s3 =	sshll.u32 s12, $0x6  }
0x4: {  	s2 =	simm.s32 $0x0;
	s1 =	rddreg [dreg:$0x1];
	s3 =	sor.u32 s3, s4  }
0x5: {  	[smem:$0x7FF] =	sst s2;
	s11 =	sadd.s32 s3, s10  }
0x6: {  	_ =	strace $0x80000047;
	s3 =	simm.s32 $0x2;
	s4 =	sadd.s32 $0x1E00, s11  }
0x7: {  	[tilespmem:s2], [sflag:$0x2] =	stream.linear.gather [hbm4b:s4+s2], $0x100, $0x38;
	[tilespmem:$0x8100] =	vst v63  }
0x8: {  	_ =	swait.ge [sflag:s3], $0x100  }
0x9: {  	s6 =	simm.s32 $0x80;
	[sflag:s3] =	ssyncset.done $0x0  }
0xa: {  	s7 =	simm.s32 $0x100;
	s5 =	sadd.s32 $0x2600, s10;
	[sflag:s3] =	ssyncadd.s32 $0xFFFFFF00  }
0xb: {  	[tilespmem:s7], [sflag:$0x1] =	stream.indirect.gather [hbm4b:s5+s6], $0x80, s2, s6, $0xb8;
	[tilespmem:$0x8100] =	vst v63  }
0xc: {  	s8 =	simm.s32 $0x4100;
	s9 =	simm.s32 $0x1  }
0xd: {  	[tilespmem:s8], [sflag:$0x1] =	stream.indirect.gather [hbm4b:s5+s6], $0x80, s6, s6, $0xb8;
	[tilespmem:$0x8100] =	vst v63  }
0xe: {  	_ =	swait.ge [sflag:s9], $0x4000  }
0xf: {  	[sflag:s9] =	ssyncset.done $0x0  }
0x10: {  	s13 =	sshll.u32 s0, $0xE;
	s14 =	sshll.u32 s12, $0xD;
	[sflag:s9] =	ssyncadd.s32 $0xFFFFC000  }
0x11: {  	s13 =	sor.u32 s14, s13;
	_ =	swait.ge [sflag:s9], $0x4000  }
0x12: {  	s13 =	sadd.s32 s13, s10;
	[sflag:s9] =	ssyncset.done $0x0  }
0x13: {  	s10 =	sadd.s32 $0x7D2600, s13;
	[sflag:s9] =	ssyncadd.s32 $0xFFFFC000  }
0x14: {  	[hbm4b:s10+s2] =	stream.linear.scatter [tilespmem:s7], [sflag:$0x2], $0x8000, $0x38;
	[tilespmem:$0x8100] =	vst v63  }
0x15: {  	_ =	swait.ge [sflag:s3], $0x8000  }
0x16: {  	[sflag:s3] =	ssyncset.done $0x0  }
0x17: {  	s11 =	sadd.s32 $0x1E20, s11;
	[sflag:s3] =	ssyncadd.s32 $0xFFFF8000  }
0x18: {  	[tilespmem:s2], [sflag:$0x2] =	stream.linear.gather [hbm4b:s11+s2], $0x100, $0x38;
	[tilespmem:$0x8100] =	vst v63  }
0x19: {  	_ =	swait.ge [sflag:s3], $0x100  }
0x1a: {  	[sflag:s3] =	ssyncset.done $0x0  }
0x1b: {  	[sflag:s3] =	ssyncadd.s32 $0xFFFFFF00  }
0x1c: {  	[tilespmem:s7], [sflag:$0x1] =	stream.indirect.gather [hbm4b:s5+s6], $0x80, s2, s6, $0xb8;
	[tilespmem:$0x8100] =	vst v63  }
0x1d: {  	s12 =	ssub.s32 $0x2, s12  }
0x1e: {  	[tilespmem:s8], [sflag:$0x1] =	stream.indirect.gather [hbm4b:s5+s6], $0x80, s6, s6, $0xb8;
	[tilespmem:$0x8100] =	vst v63  }
0x1f: {  	s30 =	sshrl.u32 s12, $0x1;
	_ =	swait.ge [sflag:s9], $0x4000  }
0x20: {  	s14 =	ssub.s32 s12, s30;
	[sflag:s9] =	ssyncset.done $0x0  }
0x21: {  	s31 =	smax.u32 s14, $0x1;
	[sflag:s9] =	ssyncadd.s32 $0xFFFFC000  }
0x22: {  	p0 =	sne.s32 s31, $0x1;
	_ =	swait.ge [sflag:s9], $0x4000  }
.Ltmp0:
0x23: {  	[sflag:s9] =	ssyncset.done $0x0;
	(pc) =	sbr.rel @!p0 .LBB2_2-.Ltmp0, $4  }
0x24: {  	s12 =	sadd.s32 $0x7D3600, s13;
	[sflag:s9] =	ssyncadd.s32 $0xFFFFC000  }
0x25: {  	[hbm4b:s12+s2] =	stream.linear.scatter [tilespmem:s7], [sflag:$0x2], $0x8000, $0x38;
	[tilespmem:$0x8100] =	vst v63  }
0x26: {  	_ =	swait.ge [sflag:s3], $0x8000  }
0x27: {  	s13 =	sadd.s32 $0xFFFFFFFF, s31;
	[sflag:s3] =	ssyncset.done $0x0  }
.LBB2_1:
0x28: {  	p0 =	sne.s32 s13, $0x1;
	s13 =	sadd.s32 $0xFFFFFFFF, s13;
	[sflag:s3] =	ssyncadd.s32 $0xFFFF8000  }
0x29: {  	[tilespmem:s2], [sflag:$0x2] =	stream.linear.gather [hbm4b:s4+s2], $0x100, $0x38;
	[tilespmem:$0x8100] =	vst v63  }
0x2a: {  	_ =	swait.ge [sflag:s3], $0x100  }
0x2b: {  	[sflag:s3] =	ssyncset.done $0x0  }
0x2c: {  	[sflag:s3] =	ssyncadd.s32 $0xFFFFFF00  }
0x2d: {  	[tilespmem:s7], [sflag:$0x1] =	stream.indirect.gather [hbm4b:s5+s6], $0x80, s2, s6, $0xb8;
	[tilespmem:$0x8100] =	vst v63  }
0x2e: {  	_ = 	snop  }
0x2f: {  	[tilespmem:s8], [sflag:$0x1] =	stream.indirect.gather [hbm4b:s5+s6], $0x80, s6, s6, $0xb8;
	[tilespmem:$0x8100] =	vst v63  }
0x30: {  	_ =	swait.ge [sflag:s9], $0x4000  }
0x31: {  	[sflag:s9] =	ssyncset.done $0x0  }
0x32: {  	[sflag:s9] =	ssyncadd.s32 $0xFFFFC000  }
0x33: {  	_ =	swait.ge [sflag:s9], $0x4000  }
0x34: {  	[sflag:s9] =	ssyncset.done $0x0  }
0x35: {  	[sflag:s9] =	ssyncadd.s32 $0xFFFFC000  }
0x36: {  	[hbm4b:s10+s2] =	stream.linear.scatter [tilespmem:s7], [sflag:$0x2], $0x8000, $0x38;
	[tilespmem:$0x8100] =	vst v63  }
0x37: {  	_ =	swait.ge [sflag:s3], $0x8000  }
0x38: {  	[sflag:s3] =	ssyncset.done $0x0  }
0x39: {  	[sflag:s3] =	ssyncadd.s32 $0xFFFF8000  }
0x3a: {  	[tilespmem:s2], [sflag:$0x2] =	stream.linear.gather [hbm4b:s11+s2], $0x100, $0x38;
	[tilespmem:$0x8100] =	vst v63  }
0x3b: {  	_ =	swait.ge [sflag:s3], $0x100  }
0x3c: {  	[sflag:s3] =	ssyncset.done $0x0  }
0x3d: {  	[sflag:s3] =	ssyncadd.s32 $0xFFFFFF00  }
0x3e: {  	[tilespmem:s7], [sflag:$0x1] =	stream.indirect.gather [hbm4b:s5+s6], $0x80, s2, s6, $0xb8;
	[tilespmem:$0x8100] =	vst v63  }
0x3f: {  	_ = 	snop  }
0x40: {  	[tilespmem:s8], [sflag:$0x1] =	stream.indirect.gather [hbm4b:s5+s6], $0x80, s6, s6, $0xb8;
	[tilespmem:$0x8100] =	vst v63  }
0x41: {  	_ =	swait.ge [sflag:s9], $0x4000  }
0x42: {  	[sflag:s9] =	ssyncset.done $0x0  }
0x43: {  	[sflag:s9] =	ssyncadd.s32 $0xFFFFC000  }
0x44: {  	_ =	swait.ge [sflag:s9], $0x4000  }
.Ltmp1:
0x45: {  	[sflag:s9] =	ssyncset.done $0x0;
	(pc) =	sbr.rel @p0 .LBB2_1-.Ltmp1, $4  }
0x46: {  	[sflag:s9] =	ssyncadd.s32 $0xFFFFC000  }
0x47: {  	[hbm4b:s12+s2] =	stream.linear.scatter [tilespmem:s7], [sflag:$0x2], $0x8000, $0x38;
	[tilespmem:$0x8100] =	vst v63  }
0x48: {  	_ =	swait.ge [sflag:s3], $0x8000  }
0x49: {  	[sflag:s3] =	ssyncset.done $0x0  }
.LBB2_2:
0x4a: {  	[sflag:s3] =	ssyncadd.s32 $0xFFFF8000  }
0x4b: {  	_ =	sfence.sel $0x180000  }
0x4c: {  	[bflag:$0x0] =	sbarrier.arrive $0xFFFF  }
0x4d: {  	p0 =	sne.s32 s0, $0x0;
	_ =	strace $0x90000047  }
0x4e: {  	s0 =	sadd.s32 @!p0 $0x100000, s1;
	[bflag:$0x2] =	sbarrier.arrive $0xFFFF  }
0x4f: {  	[sflag:s0] =	ssyncadd.tile.s32 @!p0 $0x1;
	_ =	shalt  }
.Lfunc_end2:
_tile_overlayer_lowered:
.L_overlay_start_2:
0x50: {  	(tag) =	ssettag $0x2  }
0x51: {  	s0 =	rddreg [dreg:$0x0];
	s2 =	stileid.u32  }
0x52: {  	s1 =	rddreg [dreg:$0x1];
	p0 =	sne.s32 s2, $0x0  }
0x53: {  	s3 =	rddreg [dreg:$0x2];
	[bflag:$0x3] =	sbarrier.arrive $0xFFFF;
	s2 =	simm.s32 @!p0 $0x1C02  }
0x54: {  	[timem:s3], [sflag:s2] =	dma.local @!p0 [hbm:s0], s1  }
0x55: {  	s0 =	simm.s32 @!p0 $0x2  }
0x56: {  	_ =	swait.ge @!p0 [sflag:s0], s1  }
0x57: {  	s1 =	ssub.s32 @!p0 $0x0, s1;
	[sflag:s0] =	ssyncset.done @!p0 $0x0  }
0x58: {  	[sflag:s0] =	ssyncadd.s32 @!p0 s1  }
0x59: {  	[bflag:$0x3] =	sbarrier.arrive $0xFFFF  }
0x5a: {  	_ =	shalt  }

</sc_bundles>
